<compile_context>
chip_gen: v7x
topology: tpu7x:2x2x1
jax: 0.10.2.dev20260603
libtpu: 0.0.44.dev20260713+nightly
codegen_flags: <defaults>
</compile_context>

<pallas_src>
import functools

import jax
import jax.numpy as jnp
from jax import lax
from jax.experimental import pallas as pl
from jax.experimental.pallas import tpu as pltpu
from jax.experimental.pallas import tpu_sc as plsc

_LANES = 16
_NUM_SUBCORES = 16


def _hist_body(idx_hbm, out_hbm, idx_v, hist_v, part_v, shared_v, red_v,
               sem0, sem1, num_experts, total_tokens, weight):
    row = idx_hbm.shape[1]
    sid = lax.axis_index("s")
    c0 = pltpu.async_copy(idx_hbm.at[2 * sid], idx_v.at[pl.ds(0, row)], sem0)
    c1 = pltpu.async_copy(idx_hbm.at[2 * sid + 1], idx_v.at[pl.ds(row, row)],
                          sem1)

    zeros = jnp.zeros((_LANES,), jnp.float32)

    @plsc.parallel_loop(0, num_experts, unroll=4)
    def _zero(j):
        hist_v[pl.ds(j * _LANES, _LANES)] = zeros

    lane = lax.iota(jnp.int32, _LANES)
    ones = jnp.ones((_LANES,), jnp.float32)

    nvec = row // _LANES
    c0.wait()

    @plsc.parallel_loop(0, nvec, unroll=8)
    def _scatter0(i):
        v = idx_v[pl.ds(i * _LANES, _LANES)]
        plsc.addupdate_scatter(hist_v, [v * _LANES + lane], ones)

    c1.wait()

    @plsc.parallel_loop(nvec, 2 * nvec, unroll=8)
    def _scatter1(i):
        v = idx_v[pl.ds(i * _LANES, _LANES)]
        plsc.addupdate_scatter(hist_v, [v * _LANES + lane], ones)

    @plsc.parallel_loop(0, num_experts // _LANES)
    def _reduce(g):
        eids = (g * _LANES + lane) * _LANES
        acc = jnp.zeros((_LANES,), jnp.float32)
        for l in range(_LANES):
            acc = acc + plsc.load_gather(hist_v, [eids + l])
        part_v[pl.ds(g * _LANES, _LANES)] = acc

    pltpu.sync_copy(part_v, shared_v.at[pl.ds(sid * num_experts, num_experts)])
    plsc.subcore_barrier()

    @pl.when(sid == 0)
    def _finalize():
        pltpu.sync_copy(shared_v, red_v)
        inv = 1.0 / total_tokens
        sq = jnp.zeros((_LANES,), jnp.float32)
        for g in range(num_experts // _LANES):
            tot = jnp.zeros((_LANES,), jnp.float32)
            for w in range(_NUM_SUBCORES):
                tot = tot + red_v[pl.ds(w * num_experts + g * _LANES, _LANES)]
            frac = tot * inv
            sq = sq + frac * frac
        loss = weight * (num_experts * jnp.sum(sq) - 1.0)
        part_v[pl.ds(0, _LANES)] = jnp.full((_LANES,), loss, jnp.float32)
        pltpu.sync_copy(part_v.at[pl.ds(0, _LANES)], out_hbm)


def kernel(gate_logits, top_k_indices):
    batch, seq, num_experts = gate_logits.shape
    total_tokens = batch * seq
    top_k = top_k_indices.shape[-1]
    n = batch * seq * top_k
    nrows = batch * top_k
    chunk = n // _NUM_SUBCORES
    idx = (
        jnp.transpose(top_k_indices.astype(jnp.int32), (0, 2, 1))
        .reshape(nrows, seq)
    )

    hist_fn = functools.partial(
        pl.kernel,
        mesh=plsc.VectorSubcoreMesh(
            core_axis_name="c", subcore_axis_name="s", num_cores=1
        ),
        out_type=jax.ShapeDtypeStruct((_LANES,), jnp.float32),
        scratch_types=[
            pltpu.VMEM((chunk,), jnp.int32),
            pltpu.VMEM((num_experts * _LANES,), jnp.float32),
            pltpu.VMEM((num_experts,), jnp.float32),
            pltpu.VMEM_SHARED((_NUM_SUBCORES * num_experts,), jnp.float32),
            pltpu.VMEM((_NUM_SUBCORES * num_experts,), jnp.float32),
            pltpu.SemaphoreType.DMA,
            pltpu.SemaphoreType.DMA,
        ],
        compiler_params=pltpu.CompilerParams(needs_layout_passes=False),
    )(
        functools.partial(
            _hist_body,
            num_experts=num_experts,
            total_tokens=float(total_tokens),
            weight=0.01,
        )
    )
    out = hist_fn(idx)
    return out[0]

# --- scband reference (transcript-rebuilt; emitter-appended) ---
"""Pipeline reference for scband-load-balancer-11330123727027 (READ-ONLY COPY).

The authoritative reference and input builder live on the scoring server;
editing this copy changes nothing except your own understanding.
"""

import jax, jax.numpy as jnp
import numpy as np

NUM_EXPERTS = 64
BALANCE_LOSS_WEIGHT = 0.01

def setup_inputs(seed: int = 0) -> dict:
    key = jax.random.key(seed)
    k1, k2 = jax.random.split(key)
    gate_logits = jax.random.normal(k1, (4, 8192, NUM_EXPERTS), dtype=jnp.float32)
    top_k_indices = jax.random.randint(k2, (4, 8192, 8), 0, NUM_EXPERTS, dtype=jnp.int64)
    return {"gate_logits": gate_logits, "top_k_indices": top_k_indices}

def reference(gate_logits, top_k_indices):
    # Faithful translation of LoadBalancer.compute_load_balance_loss
    batch_size, seq_len, _ = gate_logits.shape
    total_tokens = batch_size * seq_len
    indices_to_use = top_k_indices  # already 3-D (B, S, top_k)
    expert_counts = jnp.zeros((NUM_EXPERTS,), dtype=jnp.float32)
    top_k = indices_to_use.shape[-1]
    if top_k > 1:
        for k in range(top_k):
            flat_indices = indices_to_use[:, :, k].reshape(-1)
            expert_counts = expert_counts + jnp.bincount(flat_indices, length=NUM_EXPERTS).astype(jnp.float32)
    else:
        flat_indices = indices_to_use[..., 0].reshape(-1)
        expert_counts = expert_counts + jnp.bincount(flat_indices, length=NUM_EXPERTS).astype(jnp.float32)
    expert_frac = expert_counts / total_tokens
    aux_loss = NUM_EXPERTS * jnp.sum(expert_frac ** 2) - 1.0
    return BALANCE_LOSS_WEIGHT * aux_loss

if __name__ == "__main__":
    import jax
    _d = setup_inputs()
    print(jax.jit(kernel)(*tuple(_d.values())))

</pallas_src>

<mosaic_0001>
#map = affine_map<(d0, d1) -> (0, 0)>
#map1 = affine_map<(d0, d1) -> (0)>
module attributes {stable_mosaic.version = 14 : i64} {
  func.func @_hist_body(%arg0: i32, %arg1: i32, %arg2: memref<32x8192xi32, #tpu.memory_space<hbm>>, %arg3: memref<16xf32, #tpu.memory_space<hbm>>, %arg4: memref<16384xi32, #tpu.memory_space<vmem>>, %arg5: memref<1024xf32, #tpu.memory_space<vmem>>, %arg6: memref<64xf32, #tpu.memory_space<vmem>>, %arg7: memref<1024xf32, #tpu.memory_space<vmem_shared>>, %arg8: memref<1024xf32, #tpu.memory_space<vmem>>, %arg9: memref<!tpu.dma_semaphore, #tpu.memory_space<semaphore_mem>>, %arg10: memref<!tpu.dma_semaphore, #tpu.memory_space<semaphore_mem>>) attributes {dimension_semantics = [#tpu.dimension_semantics<core_parallel>, #tpu.dimension_semantics<subcore_parallel>], iteration_bounds = array<i64: 1, 16>, scalar_prefetch = 0 : i64, scratch_operands = 7 : i64, tpu.core_type = #tpu.core_type<sc_vector_subcore>, window_params = [{transform_indices = #map}, {transform_indices = #map1}]} {
    %mul3A = arith.constant 2 : i32
    %mul3A_0 = arith.muli %mul3A, %arg1 : i32
    %dma_start3A = arith.constant 0 : i32
    %dma_start3A_1 = tpu.memref_slice %arg4[%dma_start3A] : memref<16384xi32, #tpu.memory_space<vmem>> -> memref<8192xi32, #tpu.memory_space<vmem>>
    %dma_start3A_2 = arith.constant 0 : i32
    %dma_start3A_3 = tpu.memref_slice %arg2[%mul3A_0, %dma_start3A_2] : memref<32x8192xi32, #tpu.memory_space<hbm>> -> memref<1x8192xi32, #tpu.memory_space<hbm>>
    %dma_start3A_4 = tpu.memref_squeeze %dma_start3A_3 : memref<1x8192xi32, #tpu.memory_space<hbm>> -> memref<8192xi32, #tpu.memory_space<hbm>>
    %dma_start3A_5 = arith.constant 0 : i32
    %dma_start3A_6 = tpu.memref_slice %arg4[%dma_start3A_5] : memref<16384xi32, #tpu.memory_space<vmem>> -> memref<8192xi32, #tpu.memory_space<vmem>>
    %dma_start3A_7 = arith.constant 0 : i32
    %dma_start3A_8 = tpu.memref_slice %arg2[%mul3A_0, %dma_start3A_7] : memref<32x8192xi32, #tpu.memory_space<hbm>> -> memref<1x8192xi32, #tpu.memory_space<hbm>>
    %dma_start3A_9 = tpu.memref_squeeze %dma_start3A_8 : memref<1x8192xi32, #tpu.memory_space<hbm>> -> memref<8192xi32, #tpu.memory_space<hbm>>
    tpu.enqueue_dma source(%dma_start3A_9 : memref<8192xi32, #tpu.memory_space<hbm>>) target(%dma_start3A_6 : memref<8192xi32, #tpu.memory_space<vmem>>) target_semaphore(%arg9 : memref<!tpu.dma_semaphore, #tpu.memory_space<semaphore_mem>>)
    %mul3A_10 = arith.constant 2 : i32
    %mul3A_11 = arith.muli %mul3A_10, %arg1 : i32
    %add3A = arith.constant 1 : i32
    %add3A_12 = arith.addi %mul3A_11, %add3A : i32
    %dma_start3A_13 = arith.constant 8192 : i32
    %dma_start3A_14 = tpu.memref_slice %arg4[%dma_start3A_13] : memref<16384xi32, #tpu.memory_space<vmem>> -> memref<8192xi32, #tpu.memory_space<vmem>>
    %dma_start3A_15 = arith.constant 0 : i32
    %dma_start3A_16 = tpu.memref_slice %arg2[%add3A_12, %dma_start3A_15] : memref<32x8192xi32, #tpu.memory_space<hbm>> -> memref<1x8192xi32, #tpu.memory_space<hbm>>
    %dma_start3A_17 = tpu.memref_squeeze %dma_start3A_16 : memref<1x8192xi32, #tpu.memory_space<hbm>> -> memref<8192xi32, #tpu.memory_space<hbm>>
    %dma_start3A_18 = arith.constant 8192 : i32
    %dma_start3A_19 = tpu.memref_slice %arg4[%dma_start3A_18] : memref<16384xi32, #tpu.memory_space<vmem>> -> memref<8192xi32, #tpu.memory_space<vmem>>
    %dma_start3A_20 = arith.constant 0 : i32
    %dma_start3A_21 = tpu.memref_slice %arg2[%add3A_12, %dma_start3A_20] : memref<32x8192xi32, #tpu.memory_space<hbm>> -> memref<1x8192xi32, #tpu.memory_space<hbm>>
    %dma_start3A_22 = tpu.memref_squeeze %dma_start3A_21 : memref<1x8192xi32, #tpu.memory_space<hbm>> -> memref<8192xi32, #tpu.memory_space<hbm>>
    tpu.enqueue_dma source(%dma_start3A_22 : memref<8192xi32, #tpu.memory_space<hbm>>) target(%dma_start3A_19 : memref<8192xi32, #tpu.memory_space<vmem>>) target_semaphore(%arg10 : memref<!tpu.dma_semaphore, #tpu.memory_space<semaphore_mem>>)
    %broadcast_in_dim3A = arith.constant 0.000000e+00 : f32
    %broadcast_in_dim3A_23 = vector.broadcast %broadcast_in_dim3A : f32 to vector<16xf32>
    %parallel_loop3A = arith.constant 0 : i32
    %parallel_loop3A_24 = arith.constant 64 : i32
    %parallel_loop3A_25 = arith.constant 1 : i32
    scf.for %parallel_loop3A_60 = %parallel_loop3A to %parallel_loop3A_24 step %parallel_loop3A_25  : i32 {
      %parallel_loop3A_61 = arith.constant 16 : i32
      %parallel_loop3A_62 = arith.muli %parallel_loop3A_60, %parallel_loop3A_61 : i32
      %parallel_loop3A_63 = arith.index_cast %parallel_loop3A_62 : i32 to index
      %parallel_loop3A_64 = tpu.vector_load %arg5[%parallel_loop3A_63] {strides = array<i32>} : memref<1024xf32, #tpu.memory_space<vmem>>, vector<16xf32>,
      tpu.vector_store %arg5[%parallel_loop3A_63], %broadcast_in_dim3A_23 {strides = array<i32>} : memref<1024xf32, #tpu.memory_space<vmem>>, vector<16xf32>,
    } {sc.loop_unroll_factor = 4 : i64, sc.parallel_access}
    %iota3A = tpu.iota {dimensions = array<i32: 0>} : vector<16xi32>
    %broadcast_in_dim3A_26 = arith.constant 1.000000e+00 : f32
    %broadcast_in_dim3A_27 = vector.broadcast %broadcast_in_dim3A_26 : f32 to vector<16xf32>
    %dma_wait3A = arith.constant 0 : i32
    %dma_wait3A_28 = tpu.memref_slice %arg4[%dma_wait3A] : memref<16384xi32, #tpu.memory_space<vmem>> -> memref<8192xi32, #tpu.memory_space<vmem>>
    %dma_wait3A_29 = arith.constant 0 : i32
    %dma_wait3A_30 = tpu.memref_slice %arg2[%mul3A_0, %dma_wait3A_29] : memref<32x8192xi32, #tpu.memory_space<hbm>> -> memref<1x8192xi32, #tpu.memory_space<hbm>>
    %dma_wait3A_31 = tpu.memref_squeeze %dma_wait3A_30 : memref<1x8192xi32, #tpu.memory_space<hbm>> -> memref<8192xi32, #tpu.memory_space<hbm>>
    %dma_wait3A_32 = arith.constant 0 : i32
    %dma_wait3A_33 = tpu.memref_slice %arg4[%dma_wait3A_32] : memref<16384xi32, #tpu.memory_space<vmem>> -> memref<8192xi32, #tpu.memory_space<vmem>>
    %dma_wait3A_34 = arith.constant 0 : i32
    %dma_wait3A_35 = tpu.memref_slice %arg2[%mul3A_0, %dma_wait3A_34] : memref<32x8192xi32, #tpu.memory_space<hbm>> -> memref<1x8192xi32, #tpu.memory_space<hbm>>
    %dma_wait3A_36 = tpu.memref_squeeze %dma_wait3A_35 : memref<1x8192xi32, #tpu.memory_space<hbm>> -> memref<8192xi32, #tpu.memory_space<hbm>>
    tpu.wait_dma2 semaphore(%arg9 : memref<!tpu.dma_semaphore, #tpu.memory_space<semaphore_mem>>) src(%dma_wait3A_36 : memref<8192xi32, #tpu.memory_space<hbm>>) dst(%dma_wait3A_33 : memref<8192xi32, #tpu.memory_space<vmem>>)
    %parallel_loop3A_37 = arith.constant 0 : i32
    %parallel_loop3A_38 = arith.constant 512 : i32
    %parallel_loop3A_39 = arith.constant 1 : i32
    scf.for %parallel_loop3A_60 = %parallel_loop3A_37 to %parallel_loop3A_38 step %parallel_loop3A_39  : i32 {
      %parallel_loop3A_61 = arith.constant 16 : i32
      %parallel_loop3A_62 = arith.muli %parallel_loop3A_60, %parallel_loop3A_61 : i32
      %parallel_loop3A_63 = arith.index_cast %parallel_loop3A_62 : i32 to index
      %parallel_loop3A_64 = tpu.vector_load %arg4[%parallel_loop3A_63] {strides = array<i32>} : memref<16384xi32, #tpu.memory_space<vmem>>, vector<16xi32>,
      %parallel_loop3A_65 = arith.constant 16 : i32
      %parallel_loop3A_66 = vector.broadcast %parallel_loop3A_65 : i32 to vector<16xi32>
      %parallel_loop3A_67 = arith.muli %parallel_loop3A_64, %parallel_loop3A_66 : vector<16xi32>
      %parallel_loop3A_68 = arith.addi %parallel_loop3A_67, %iota3A : vector<16xi32>
      tpu.vector_store_idx %arg5[%parallel_loop3A_68], %broadcast_in_dim3A_27 {add = true} : memref<1024xf32, #tpu.memory_space<vmem>>[vector<16xi32>], vector<16xf32>,
    } {sc.loop_unroll_factor = 8 : i64, sc.parallel_access}
    %dma_wait3A_40 = arith.constant 8192 : i32
    %dma_wait3A_41 = tpu.memref_slice %arg4[%dma_wait3A_40] : memref<16384xi32, #tpu.memory_space<vmem>> -> memref<8192xi32, #tpu.memory_space<vmem>>
    %dma_wait3A_42 = arith.constant 0 : i32
    %dma_wait3A_43 = tpu.memref_slice %arg2[%add3A_12, %dma_wait3A_42] : memref<32x8192xi32, #tpu.memory_space<hbm>> -> memref<1x8192xi32, #tpu.memory_space<hbm>>
    %dma_wait3A_44 = tpu.memref_squeeze %dma_wait3A_43 : memref<1x8192xi32, #tpu.memory_space<hbm>> -> memref<8192xi32, #tpu.memory_space<hbm>>
    %dma_wait3A_45 = arith.constant 8192 : i32
    %dma_wait3A_46 = tpu.memref_slice %arg4[%dma_wait3A_45] : memref<16384xi32, #tpu.memory_space<vmem>> -> memref<8192xi32, #tpu.memory_space<vmem>>
    %dma_wait3A_47 = arith.constant 0 : i32
    %dma_wait3A_48 = tpu.memref_slice %arg2[%add3A_12, %dma_wait3A_47] : memref<32x8192xi32, #tpu.memory_space<hbm>> -> memref<1x8192xi32, #tpu.memory_space<hbm>>
    %dma_wait3A_49 = tpu.memref_squeeze %dma_wait3A_48 : memref<1x8192xi32, #tpu.memory_space<hbm>> -> memref<8192xi32, #tpu.memory_space<hbm>>
    tpu.wait_dma2 semaphore(%arg10 : memref<!tpu.dma_semaphore, #tpu.memory_space<semaphore_mem>>) src(%dma_wait3A_49 : memref<8192xi32, #tpu.memory_space<hbm>>) dst(%dma_wait3A_46 : memref<8192xi32, #tpu.memory_space<vmem>>)
    %parallel_loop3A_50 = arith.constant 512 : i32
    %parallel_loop3A_51 = arith.constant 1024 : i32
    %parallel_loop3A_52 = arith.constant 1 : i32
    scf.for %parallel_loop3A_60 = %parallel_loop3A_50 to %parallel_loop3A_51 step %parallel_loop3A_52  : i32 {
      %parallel_loop3A_61 = arith.constant 16 : i32
      %parallel_loop3A_62 = arith.muli %parallel_loop3A_60, %parallel_loop3A_61 : i32
      %parallel_loop3A_63 = arith.index_cast %parallel_loop3A_62 : i32 to index
      %parallel_loop3A_64 = tpu.vector_load %arg4[%parallel_loop3A_63] {strides = array<i32>} : memref<16384xi32, #tpu.memory_space<vmem>>, vector<16xi32>,
      %parallel_loop3A_65 = arith.constant 16 : i32
      %parallel_loop3A_66 = vector.broadcast %parallel_loop3A_65 : i32 to vector<16xi32>
      %parallel_loop3A_67 = arith.muli %parallel_loop3A_64, %parallel_loop3A_66 : vector<16xi32>
      %parallel_loop3A_68 = arith.addi %parallel_loop3A_67, %iota3A : vector<16xi32>
      tpu.vector_store_idx %arg5[%parallel_loop3A_68], %broadcast_in_dim3A_27 {add = true} : memref<1024xf32, #tpu.memory_space<vmem>>[vector<16xi32>], vector<16xf32>,
    } {sc.loop_unroll_factor = 8 : i64, sc.parallel_access}
    %parallel_loop3A_53 = arith.constant 0 : i32
    %parallel_loop3A_54 = arith.constant 4 : i32
    %parallel_loop3A_55 = arith.constant 1 : i32
    scf.for %parallel_loop3A_60 = %parallel_loop3A_53 to %parallel_loop3A_54 step %parallel_loop3A_55  : i32 {
      %parallel_loop3A_61 = arith.constant 16 : i32
      %parallel_loop3A_62 = arith.muli %parallel_loop3A_60, %parallel_loop3A_61 : i32
      %parallel_loop3A_63 = vector.broadcast %parallel_loop3A_62 : i32 to vector<16xi32>
      %parallel_loop3A_64 = arith.addi %parallel_loop3A_63, %iota3A : vector<16xi32>
      %parallel_loop3A_65 = arith.constant 16 : i32
      %parallel_loop3A_66 = vector.broadcast %parallel_loop3A_65 : i32 to vector<16xi32>
      %parallel_loop3A_67 = arith.muli %parallel_loop3A_64, %parallel_loop3A_66 : vector<16xi32>
      %parallel_loop3A_68 = arith.constant 0.000000e+00 : f32
      %parallel_loop3A_69 = vector.broadcast %parallel_loop3A_68 : f32 to vector<16xf32>
      %parallel_loop3A_70 = arith.constant 0 : i32
      %parallel_loop3A_71 = vector.broadcast %parallel_loop3A_70 : i32 to vector<16xi32>
      %parallel_loop3A_72 = arith.addi %parallel_loop3A_67, %parallel_loop3A_71 : vector<16xi32>
      %parallel_loop3A_73 = tpu.vector_load_idx %arg5[%parallel_loop3A_72] : memref<1024xf32, #tpu.memory_space<vmem>>[vector<16xi32>], vector<16xf32>,
      %parallel_loop3A_74 = arith.addf %parallel_loop3A_69, %parallel_loop3A_73 : vector<16xf32>
      %parallel_loop3A_75 = arith.constant 1 : i32
      %parallel_loop3A_76 = vector.broadcast %parallel_loop3A_75 : i32 to vector<16xi32>
      %parallel_loop3A_77 = arith.addi %parallel_loop3A_67, %parallel_loop3A_76 : vector<16xi32>
      %parallel_loop3A_78 = tpu.vector_load_idx %arg5[%parallel_loop3A_77] : memref<1024xf32, #tpu.memory_space<vmem>>[vector<16xi32>], vector<16xf32>,
      %parallel_loop3A_79 = arith.addf %parallel_loop3A_74, %parallel_loop3A_78 : vector<16xf32>
      %parallel_loop3A_80 = arith.constant 2 : i32
      %parallel_loop3A_81 = vector.broadcast %parallel_loop3A_80 : i32 to vector<16xi32>
      %parallel_loop3A_82 = arith.addi %parallel_loop3A_67, %parallel_loop3A_81 : vector<16xi32>
      %parallel_loop3A_83 = tpu.vector_load_idx %arg5[%parallel_loop3A_82] : memref<1024xf32, #tpu.memory_space<vmem>>[vector<16xi32>], vector<16xf32>,
      %parallel_loop3A_84 = arith.addf %parallel_loop3A_79, %parallel_loop3A_83 : vector<16xf32>
      %parallel_loop3A_85 = arith.constant 3 : i32
      %parallel_loop3A_86 = vector.broadcast %parallel_loop3A_85 : i32 to vector<16xi32>
      %parallel_loop3A_87 = arith.addi %parallel_loop3A_67, %parallel_loop3A_86 : vector<16xi32>
      %parallel_loop3A_88 = tpu.vector_load_idx %arg5[%parallel_loop3A_87] : memref<1024xf32, #tpu.memory_space<vmem>>[vector<16xi32>], vector<16xf32>,
      %parallel_loop3A_89 = arith.addf %parallel_loop3A_84, %parallel_loop3A_88 : vector<16xf32>
      %parallel_loop3A_90 = arith.constant 4 : i32
      %parallel_loop3A_91 = vector.broadcast %parallel_loop3A_90 : i32 to vector<16xi32>
      %parallel_loop3A_92 = arith.addi %parallel_loop3A_67, %parallel_loop3A_91 : vector<16xi32>
      %parallel_loop3A_93 = tpu.vector_load_idx %arg5[%parallel_loop3A_92] : memref<1024xf32, #tpu.memory_space<vmem>>[vector<16xi32>], vector<16xf32>,
      %parallel_loop3A_94 = arith.addf %parallel_loop3A_89, %parallel_loop3A_93 : vector<16xf32>
      %parallel_loop3A_95 = arith.constant 5 : i32
      %parallel_loop3A_96 = vector.broadcast %parallel_loop3A_95 : i32 to vector<16xi32>
      %parallel_loop3A_97 = arith.addi %parallel_loop3A_67, %parallel_loop3A_96 : vector<16xi32>
      %parallel_loop3A_98 = tpu.vector_load_idx %arg5[%parallel_loop3A_97] : memref<1024xf32, #tpu.memory_space<vmem>>[vector<16xi32>], vector<16xf32>,
      %parallel_loop3A_99 = arith.addf %parallel_loop3A_94, %parallel_loop3A_98 : vector<16xf32>
      %parallel_loop3A_100 = arith.constant 6 : i32
      %parallel_loop3A_101 = vector.broadcast %parallel_loop3A_100 : i32 to vector<16xi32>
      %parallel_loop3A_102 = arith.addi %parallel_loop3A_67, %parallel_loop3A_101 : vector<16xi32>
      %parallel_loop3A_103 = tpu.vector_load_idx %arg5[%parallel_loop3A_102] : memref<1024xf32, #tpu.memory_space<vmem>>[vector<16xi32>], vector<16xf32>,
      %parallel_loop3A_104 = arith.addf %parallel_loop3A_99, %parallel_loop3A_103 : vector<16xf32>
      %parallel_loop3A_105 = arith.constant 7 : i32
      %parallel_loop3A_106 = vector.broadcast %parallel_loop3A_105 : i32 to vector<16xi32>
      %parallel_loop3A_107 = arith.addi %parallel_loop3A_67, %parallel_loop3A_106 : vector<16xi32>
      %parallel_loop3A_108 = tpu.vector_load_idx %arg5[%parallel_loop3A_107] : memref<1024xf32, #tpu.memory_space<vmem>>[vector<16xi32>], vector<16xf32>,
      %parallel_loop3A_109 = arith.addf %parallel_loop3A_104, %parallel_loop3A_108 : vector<16xf32>
      %parallel_loop3A_110 = arith.constant 8 : i32
      %parallel_loop3A_111 = vector.broadcast %parallel_loop3A_110 : i32 to vector<16xi32>
      %parallel_loop3A_112 = arith.addi %parallel_loop3A_67, %parallel_loop3A_111 : vector<16xi32>
      %parallel_loop3A_113 = tpu.vector_load_idx %arg5[%parallel_loop3A_112] : memref<1024xf32, #tpu.memory_space<vmem>>[vector<16xi32>], vector<16xf32>,
      %parallel_loop3A_114 = arith.addf %parallel_loop3A_109, %parallel_loop3A_113 : vector<16xf32>
      %parallel_loop3A_115 = arith.constant 9 : i32
      %parallel_loop3A_116 = vector.broadcast %parallel_loop3A_115 : i32 to vector<16xi32>
      %parallel_loop3A_117 = arith.addi %parallel_loop3A_67, %parallel_loop3A_116 : vector<16xi32>
      %parallel_loop3A_118 = tpu.vector_load_idx %arg5[%parallel_loop3A_117] : memref<1024xf32, #tpu.memory_space<vmem>>[vector<16xi32>], vector<16xf32>,
      %parallel_loop3A_119 = arith.addf %parallel_loop3A_114, %parallel_loop3A_118 : vector<16xf32>
      %parallel_loop3A_120 = arith.constant 10 : i32
      %parallel_loop3A_121 = vector.broadcast %parallel_loop3A_120 : i32 to vector<16xi32>
      %parallel_loop3A_122 = arith.addi %parallel_loop3A_67, %parallel_loop3A_121 : vector<16xi32>
      %parallel_loop3A_123 = tpu.vector_load_idx %arg5[%parallel_loop3A_122] : memref<1024xf32, #tpu.memory_space<vmem>>[vector<16xi32>], vector<16xf32>,
      %parallel_loop3A_124 = arith.addf %parallel_loop3A_119, %parallel_loop3A_123 : vector<16xf32>
      %parallel_loop3A_125 = arith.constant 11 : i32
      %parallel_loop3A_126 = vector.broadcast %parallel_loop3A_125 : i32 to vector<16xi32>
      %parallel_loop3A_127 = arith.addi %parallel_loop3A_67, %parallel_loop3A_126 : vector<16xi32>
      %parallel_loop3A_128 = tpu.vector_load_idx %arg5[%parallel_loop3A_127] : memref<1024xf32, #tpu.memory_space<vmem>>[vector<16xi32>], vector<16xf32>,
      %parallel_loop3A_129 = arith.addf %parallel_loop3A_124, %parallel_loop3A_128 : vector<16xf32>
      %parallel_loop3A_130 = arith.constant 12 : i32
      %parallel_loop3A_131 = vector.broadcast %parallel_loop3A_130 : i32 to vector<16xi32>
      %parallel_loop3A_132 = arith.addi %parallel_loop3A_67, %parallel_loop3A_131 : vector<16xi32>
      %parallel_loop3A_133 = tpu.vector_load_idx %arg5[%parallel_loop3A_132] : memref<1024xf32, #tpu.memory_space<vmem>>[vector<16xi32>], vector<16xf32>,
      %parallel_loop3A_134 = arith.addf %parallel_loop3A_129, %parallel_loop3A_133 : vector<16xf32>
      %parallel_loop3A_135 = arith.constant 13 : i32
      %parallel_loop3A_136 = vector.broadcast %parallel_loop3A_135 : i32 to vector<16xi32>
      %parallel_loop3A_137 = arith.addi %parallel_loop3A_67, %parallel_loop3A_136 : vector<16xi32>
      %parallel_loop3A_138 = tpu.vector_load_idx %arg5[%parallel_loop3A_137] : memref<1024xf32, #tpu.memory_space<vmem>>[vector<16xi32>], vector<16xf32>,
      %parallel_loop3A_139 = arith.addf %parallel_loop3A_134, %parallel_loop3A_138 : vector<16xf32>
      %parallel_loop3A_140 = arith.constant 14 : i32
      %parallel_loop3A_141 = vector.broadcast %parallel_loop3A_140 : i32 to vector<16xi32>
      %parallel_loop3A_142 = arith.addi %parallel_loop3A_67, %parallel_loop3A_141 : vector<16xi32>
      %parallel_loop3A_143 = tpu.vector_load_idx %arg5[%parallel_loop3A_142] : memref<1024xf32, #tpu.memory_space<vmem>>[vector<16xi32>], vector<16xf32>,
      %parallel_loop3A_144 = arith.addf %parallel_loop3A_139, %parallel_loop3A_143 : vector<16xf32>
      %parallel_loop3A_145 = arith.constant 15 : i32
      %parallel_loop3A_146 = vector.broadcast %parallel_loop3A_145 : i32 to vector<16xi32>
      %parallel_loop3A_147 = arith.addi %parallel_loop3A_67, %parallel_loop3A_146 : vector<16xi32>
      %parallel_loop3A_148 = tpu.vector_load_idx %arg5[%parallel_loop3A_147] : memref<1024xf32, #tpu.memory_space<vmem>>[vector<16xi32>], vector<16xf32>,
      %parallel_loop3A_149 = arith.addf %parallel_loop3A_144, %parallel_loop3A_148 : vector<16xf32>
      %parallel_loop3A_150 = arith.constant 16 : i32
      %parallel_loop3A_151 = arith.muli %parallel_loop3A_60, %parallel_loop3A_150 : i32
      %parallel_loop3A_152 = arith.index_cast %parallel_loop3A_151 : i32 to index
      %parallel_loop3A_153 = tpu.vector_load %arg6[%parallel_loop3A_152] {strides = array<i32>} : memref<64xf32, #tpu.memory_space<vmem>>, vector<16xf32>,
      tpu.vector_store %arg6[%parallel_loop3A_152], %parallel_loop3A_149 {strides = array<i32>} : memref<64xf32, #tpu.memory_space<vmem>>, vector<16xf32>,
    } {sc.loop_unroll_factor = 1 : i64, sc.parallel_access}
    %mul3A_56 = arith.constant 64 : i32
    %mul3A_57 = arith.muli %arg1, %mul3A_56 : i32
    "tpu.region"() ({
      %run_scoped3A = tpu.sem_alloc : memref<!tpu.dma_semaphore, #tpu.memory_space<semaphore_mem>>
      %dma_start3A_60 = tpu.memref_slice %arg7[%mul3A_57] : memref<1024xf32, #tpu.memory_space<vmem_shared>> -> memref<64xf32, #tpu.memory_space<vmem_shared>>
      %dma_start3A_61 = tpu.memref_slice %arg7[%mul3A_57] : memref<1024xf32, #tpu.memory_space<vmem_shared>> -> memref<64xf32, #tpu.memory_space<vmem_shared>>
      tpu.enqueue_dma source(%arg6 : memref<64xf32, #tpu.memory_space<vmem>>) target(%dma_start3A_61 : memref<64xf32, #tpu.memory_space<vmem_shared>>) target_semaphore(%run_scoped3A : memref<!tpu.dma_semaphore, #tpu.memory_space<semaphore_mem>>)
      %dma_wait3A_62 = tpu.memref_slice %arg7[%mul3A_57] : memref<1024xf32, #tpu.memory_space<vmem_shared>> -> memref<64xf32, #tpu.memory_space<vmem_shared>>
      %dma_wait3A_63 = tpu.memref_slice %arg7[%mul3A_57] : memref<1024xf32, #tpu.memory_space<vmem_shared>> -> memref<64xf32, #tpu.memory_space<vmem_shared>>
      tpu.wait_dma2 semaphore(%run_scoped3A : memref<!tpu.dma_semaphore, #tpu.memory_space<semaphore_mem>>) src(%arg6 : memref<64xf32, #tpu.memory_space<vmem>>) dst(%dma_wait3A_63 : memref<64xf32, #tpu.memory_space<vmem_shared>>)
      tpu.yield
    }) : () -> ()
    %barrier3A = arith.constant 0 : index
    tpu.barrier barrier_id(%barrier3A)
    %eq3A = arith.constant 0 : i32
    %eq3A_58 = arith.cmpi eq, %arg1, %eq3A : i32
    %convert_element_type3A = arith.extui %eq3A_58 : i1 to i32
    %cond3A = arith.constant 0 : i32
    %cond3A_59 = arith.cmpi ne, %convert_element_type3A, %cond3A : i32
    scf.if %cond3A_59 {
      "tpu.region"() ({
        %run_scoped3A = tpu.sem_alloc : memref<!tpu.dma_semaphore, #tpu.memory_space<semaphore_mem>>
        tpu.enqueue_dma source(%arg7 : memref<1024xf32, #tpu.memory_space<vmem_shared>>) target(%arg8 : memref<1024xf32, #tpu.memory_space<vmem>>) target_semaphore(%run_scoped3A : memref<!tpu.dma_semaphore, #tpu.memory_space<semaphore_mem>>)
        tpu.wait_dma2 semaphore(%run_scoped3A : memref<!tpu.dma_semaphore, #tpu.memory_space<semaphore_mem>>) src(%arg7 : memref<1024xf32, #tpu.memory_space<vmem_shared>>) dst(%arg8 : memref<1024xf32, #tpu.memory_space<vmem>>)
        tpu.yield
      }) : () -> ()
      %broadcast_in_dim3A_60 = arith.constant 0.000000e+00 : f32
      %broadcast_in_dim3A_61 = vector.broadcast %broadcast_in_dim3A_60 : f32 to vector<16xf32>
      %broadcast_in_dim3A_62 = arith.constant 0.000000e+00 : f32
      %broadcast_in_dim3A_63 = vector.broadcast %broadcast_in_dim3A_62 : f32 to vector<16xf32>
      %get3A = arith.constant 0 : index
      %get3A_64 = tpu.vector_load %arg8[%get3A] {strides = array<i32>} : memref<1024xf32, #tpu.memory_space<vmem>>, vector<16xf32>,
      %add3A_65 = arith.addf %broadcast_in_dim3A_63, %get3A_64 : vector<16xf32>
      %get3A_66 = arith.constant 64 : index
      %get3A_67 = tpu.vector_load %arg8[%get3A_66] {strides = array<i32>} : memref<1024xf32, #tpu.memory_space<vmem>>, vector<16xf32>,
      %add3A_68 = arith.addf %add3A_65, %get3A_67 : vector<16xf32>
      %get3A_69 = arith.constant 128 : index
      %get3A_70 = tpu.vector_load %arg8[%get3A_69] {strides = array<i32>} : memref<1024xf32, #tpu.memory_space<vmem>>, vector<16xf32>,
      %add3A_71 = arith.addf %add3A_68, %get3A_70 : vector<16xf32>
      %get3A_72 = arith.constant 192 : index
      %get3A_73 = tpu.vector_load %arg8[%get3A_72] {strides = array<i32>} : memref<1024xf32, #tpu.memory_space<vmem>>, vector<16xf32>,
      %add3A_74 = arith.addf %add3A_71, %get3A_73 : vector<16xf32>
      %get3A_75 = arith.constant 256 : index
      %get3A_76 = tpu.vector_load %arg8[%get3A_75] {strides = array<i32>} : memref<1024xf32, #tpu.memory_space<vmem>>, vector<16xf32>,
      %add3A_77 = arith.addf %add3A_74, %get3A_76 : vector<16xf32>
      %get3A_78 = arith.constant 320 : index
      %get3A_79 = tpu.vector_load %arg8[%get3A_78] {strides = array<i32>} : memref<1024xf32, #tpu.memory_space<vmem>>, vector<16xf32>,
      %add3A_80 = arith.addf %add3A_77, %get3A_79 : vector<16xf32>
      %get3A_81 = arith.constant 384 : index
      %get3A_82 = tpu.vector_load %arg8[%get3A_81] {strides = array<i32>} : memref<1024xf32, #tpu.memory_space<vmem>>, vector<16xf32>,
      %add3A_83 = arith.addf %add3A_80, %get3A_82 : vector<16xf32>
      %get3A_84 = arith.constant 448 : index
      %get3A_85 = tpu.vector_load %arg8[%get3A_84] {strides = array<i32>} : memref<1024xf32, #tpu.memory_space<vmem>>, vector<16xf32>,
      %add3A_86 = arith.addf %add3A_83, %get3A_85 : vector<16xf32>
      %get3A_87 = arith.constant 512 : index
      %get3A_88 = tpu.vector_load %arg8[%get3A_87] {strides = array<i32>} : memref<1024xf32, #tpu.memory_space<vmem>>, vector<16xf32>,
      %add3A_89 = arith.addf %add3A_86, %get3A_88 : vector<16xf32>
      %get3A_90 = arith.constant 576 : index
      %get3A_91 = tpu.vector_load %arg8[%get3A_90] {strides = array<i32>} : memref<1024xf32, #tpu.memory_space<vmem>>, vector<16xf32>,
      %add3A_92 = arith.addf %add3A_89, %get3A_91 : vector<16xf32>
      %get3A_93 = arith.constant 640 : index
      %get3A_94 = tpu.vector_load %arg8[%get3A_93] {strides = array<i32>} : memref<1024xf32, #tpu.memory_space<vmem>>, vector<16xf32>,
      %add3A_95 = arith.addf %add3A_92, %get3A_94 : vector<16xf32>
      %get3A_96 = arith.constant 704 : index
      %get3A_97 = tpu.vector_load %arg8[%get3A_96] {strides = array<i32>} : memref<1024xf32, #tpu.memory_space<vmem>>, vector<16xf32>,
      %add3A_98 = arith.addf %add3A_95, %get3A_97 : vector<16xf32>
      %get3A_99 = arith.constant 768 : index
      %get3A_100 = tpu.vector_load %arg8[%get3A_99] {strides = array<i32>} : memref<1024xf32, #tpu.memory_space<vmem>>, vector<16xf32>,
      %add3A_101 = arith.addf %add3A_98, %get3A_100 : vector<16xf32>
      %get3A_102 = arith.constant 832 : index
      %get3A_103 = tpu.vector_load %arg8[%get3A_102] {strides = array<i32>} : memref<1024xf32, #tpu.memory_space<vmem>>, vector<16xf32>,
      %add3A_104 = arith.addf %add3A_101, %get3A_103 : vector<16xf32>
      %get3A_105 = arith.constant 896 : index
      %get3A_106 = tpu.vector_load %arg8[%get3A_105] {strides = array<i32>} : memref<1024xf32, #tpu.memory_space<vmem>>, vector<16xf32>,
      %add3A_107 = arith.addf %add3A_104, %get3A_106 : vector<16xf32>
      %get3A_108 = arith.constant 960 : index
      %get3A_109 = tpu.vector_load %arg8[%get3A_108] {strides = array<i32>} : memref<1024xf32, #tpu.memory_space<vmem>>, vector<16xf32>,
      %add3A_110 = arith.addf %add3A_107, %get3A_109 : vector<16xf32>
      %mul3A_111 = arith.constant 3.05175781E-5 : f32
      %mul3A_112 = vector.broadcast %mul3A_111 : f32 to vector<16xf32>
      %mul3A_113 = arith.mulf %add3A_110, %mul3A_112 : vector<16xf32>
      %mul3A_114 = arith.mulf %mul3A_113, %mul3A_113 : vector<16xf32>
      %add3A_115 = arith.addf %broadcast_in_dim3A_61, %mul3A_114 : vector<16xf32>
      %broadcast_in_dim3A_116 = arith.constant 0.000000e+00 : f32
      %broadcast_in_dim3A_117 = vector.broadcast %broadcast_in_dim3A_116 : f32 to vector<16xf32>
      %get3A_118 = arith.constant 16 : index
      %get3A_119 = tpu.vector_load %arg8[%get3A_118] {strides = array<i32>} : memref<1024xf32, #tpu.memory_space<vmem>>, vector<16xf32>,
      %add3A_120 = arith.addf %broadcast_in_dim3A_117, %get3A_119 : vector<16xf32>
      %get3A_121 = arith.constant 80 : index
      %get3A_122 = tpu.vector_load %arg8[%get3A_121] {strides = array<i32>} : memref<1024xf32, #tpu.memory_space<vmem>>, vector<16xf32>,
      %add3A_123 = arith.addf %add3A_120, %get3A_122 : vector<16xf32>
      %get3A_124 = arith.constant 144 : index
      %get3A_125 = tpu.vector_load %arg8[%get3A_124] {strides = array<i32>} : memref<1024xf32, #tpu.memory_space<vmem>>, vector<16xf32>,
      %add3A_126 = arith.addf %add3A_123, %get3A_125 : vector<16xf32>
      %get3A_127 = arith.constant 208 : index
      %get3A_128 = tpu.vector_load %arg8[%get3A_127] {strides = array<i32>} : memref<1024xf32, #tpu.memory_space<vmem>>, vector<16xf32>,
      %add3A_129 = arith.addf %add3A_126, %get3A_128 : vector<16xf32>
      %get3A_130 = arith.constant 272 : index
      %get3A_131 = tpu.vector_load %arg8[%get3A_130] {strides = array<i32>} : memref<1024xf32, #tpu.memory_space<vmem>>, vector<16xf32>,
      %add3A_132 = arith.addf %add3A_129, %get3A_131 : vector<16xf32>
      %get3A_133 = arith.constant 336 : index
      %get3A_134 = tpu.vector_load %arg8[%get3A_133] {strides = array<i32>} : memref<1024xf32, #tpu.memory_space<vmem>>, vector<16xf32>,
      %add3A_135 = arith.addf %add3A_132, %get3A_134 : vector<16xf32>
      %get3A_136 = arith.constant 400 : index
      %get3A_137 = tpu.vector_load %arg8[%get3A_136] {strides = array<i32>} : memref<1024xf32, #tpu.memory_space<vmem>>, vector<16xf32>,
      %add3A_138 = arith.addf %add3A_135, %get3A_137 : vector<16xf32>
      %get3A_139 = arith.constant 464 : index
      %get3A_140 = tpu.vector_load %arg8[%get3A_139] {strides = array<i32>} : memref<1024xf32, #tpu.memory_space<vmem>>, vector<16xf32>,
      %add3A_141 = arith.addf %add3A_138, %get3A_140 : vector<16xf32>
      %get3A_142 = arith.constant 528 : index
      %get3A_143 = tpu.vector_load %arg8[%get3A_142] {strides = array<i32>} : memref<1024xf32, #tpu.memory_space<vmem>>, vector<16xf32>,
      %add3A_144 = arith.addf %add3A_141, %get3A_143 : vector<16xf32>
      %get3A_145 = arith.constant 592 : index
      %get3A_146 = tpu.vector_load %arg8[%get3A_145] {strides = array<i32>} : memref<1024xf32, #tpu.memory_space<vmem>>, vector<16xf32>,
      %add3A_147 = arith.addf %add3A_144, %get3A_146 : vector<16xf32>
      %get3A_148 = arith.constant 656 : index
      %get3A_149 = tpu.vector_load %arg8[%get3A_148] {strides = array<i32>} : memref<1024xf32, #tpu.memory_space<vmem>>, vector<16xf32>,
      %add3A_150 = arith.addf %add3A_147, %get3A_149 : vector<16xf32>
      %get3A_151 = arith.constant 720 : index
      %get3A_152 = tpu.vector_load %arg8[%get3A_151] {strides = array<i32>} : memref<1024xf32, #tpu.memory_space<vmem>>, vector<16xf32>,
      %add3A_153 = arith.addf %add3A_150, %get3A_152 : vector<16xf32>
      %get3A_154 = arith.constant 784 : index
      %get3A_155 = tpu.vector_load %arg8[%get3A_154] {strides = array<i32>} : memref<1024xf32, #tpu.memory_space<vmem>>, vector<16xf32>,
      %add3A_156 = arith.addf %add3A_153, %get3A_155 : vector<16xf32>
      %get3A_157 = arith.constant 848 : index
      %get3A_158 = tpu.vector_load %arg8[%get3A_157] {strides = array<i32>} : memref<1024xf32, #tpu.memory_space<vmem>>, vector<16xf32>,
      %add3A_159 = arith.addf %add3A_156, %get3A_158 : vector<16xf32>
      %get3A_160 = arith.constant 912 : index
      %get3A_161 = tpu.vector_load %arg8[%get3A_160] {strides = array<i32>} : memref<1024xf32, #tpu.memory_space<vmem>>, vector<16xf32>,
      %add3A_162 = arith.addf %add3A_159, %get3A_161 : vector<16xf32>
      %get3A_163 = arith.constant 976 : index
      %get3A_164 = tpu.vector_load %arg8[%get3A_163] {strides = array<i32>} : memref<1024xf32, #tpu.memory_space<vmem>>, vector<16xf32>,
      %add3A_165 = arith.addf %add3A_162, %get3A_164 : vector<16xf32>
      %mul3A_166 = arith.constant 3.05175781E-5 : f32
      %mul3A_167 = vector.broadcast %mul3A_166 : f32 to vector<16xf32>
      %mul3A_168 = arith.mulf %add3A_165, %mul3A_167 : vector<16xf32>
      %mul3A_169 = arith.mulf %mul3A_168, %mul3A_168 : vector<16xf32>
      %add3A_170 = arith.addf %add3A_115, %mul3A_169 : vector<16xf32>
      %broadcast_in_dim3A_171 = arith.constant 0.000000e+00 : f32
      %broadcast_in_dim3A_172 = vector.broadcast %broadcast_in_dim3A_171 : f32 to vector<16xf32>
      %get3A_173 = arith.constant 32 : index
      %get3A_174 = tpu.vector_load %arg8[%get3A_173] {strides = array<i32>} : memref<1024xf32, #tpu.memory_space<vmem>>, vector<16xf32>,
      %add3A_175 = arith.addf %broadcast_in_dim3A_172, %get3A_174 : vector<16xf32>
      %get3A_176 = arith.constant 96 : index
      %get3A_177 = tpu.vector_load %arg8[%get3A_176] {strides = array<i32>} : memref<1024xf32, #tpu.memory_space<vmem>>, vector<16xf32>,
      %add3A_178 = arith.addf %add3A_175, %get3A_177 : vector<16xf32>
      %get3A_179 = arith.constant 160 : index
      %get3A_180 = tpu.vector_load %arg8[%get3A_179] {strides = array<i32>} : memref<1024xf32, #tpu.memory_space<vmem>>, vector<16xf32>,
      %add3A_181 = arith.addf %add3A_178, %get3A_180 : vector<16xf32>
      %get3A_182 = arith.constant 224 : index
      %get3A_183 = tpu.vector_load %arg8[%get3A_182] {strides = array<i32>} : memref<1024xf32, #tpu.memory_space<vmem>>, vector<16xf32>,
      %add3A_184 = arith.addf %add3A_181, %get3A_183 : vector<16xf32>
      %get3A_185 = arith.constant 288 : index
      %get3A_186 = tpu.vector_load %arg8[%get3A_185] {strides = array<i32>} : memref<1024xf32, #tpu.memory_space<vmem>>, vector<16xf32>,
      %add3A_187 = arith.addf %add3A_184, %get3A_186 : vector<16xf32>
      %get3A_188 = arith.constant 352 : index
      %get3A_189 = tpu.vector_load %arg8[%get3A_188] {strides = array<i32>} : memref<1024xf32, #tpu.memory_space<vmem>>, vector<16xf32>,
      %add3A_190 = arith.addf %add3A_187, %get3A_189 : vector<16xf32>
      %get3A_191 = arith.constant 416 : index
      %get3A_192 = tpu.vector_load %arg8[%get3A_191] {strides = array<i32>} : memref<1024xf32, #tpu.memory_space<vmem>>, vector<16xf32>,
      %add3A_193 = arith.addf %add3A_190, %get3A_192 : vector<16xf32>
      %get3A_194 = arith.constant 480 : index
      %get3A_195 = tpu.vector_load %arg8[%get3A_194] {strides = array<i32>} : memref<1024xf32, #tpu.memory_space<vmem>>, vector<16xf32>,
      %add3A_196 = arith.addf %add3A_193, %get3A_195 : vector<16xf32>
      %get3A_197 = arith.constant 544 : index
      %get3A_198 = tpu.vector_load %arg8[%get3A_197] {strides = array<i32>} : memref<1024xf32, #tpu.memory_space<vmem>>, vector<16xf32>,
      %add3A_199 = arith.addf %add3A_196, %get3A_198 : vector<16xf32>
      %get3A_200 = arith.constant 608 : index
      %get3A_201 = tpu.vector_load %arg8[%get3A_200] {strides = array<i32>} : memref<1024xf32, #tpu.memory_space<vmem>>, vector<16xf32>,
      %add3A_202 = arith.addf %add3A_199, %get3A_201 : vector<16xf32>
      %get3A_203 = arith.constant 672 : index
      %get3A_204 = tpu.vector_load %arg8[%get3A_203] {strides = array<i32>} : memref<1024xf32, #tpu.memory_space<vmem>>, vector<16xf32>,
      %add3A_205 = arith.addf %add3A_202, %get3A_204 : vector<16xf32>
      %get3A_206 = arith.constant 736 : index
      %get3A_207 = tpu.vector_load %arg8[%get3A_206] {strides = array<i32>} : memref<1024xf32, #tpu.memory_space<vmem>>, vector<16xf32>,
      %add3A_208 = arith.addf %add3A_205, %get3A_207 : vector<16xf32>
      %get3A_209 = arith.constant 800 : index
      %get3A_210 = tpu.vector_load %arg8[%get3A_209] {strides = array<i32>} : memref<1024xf32, #tpu.memory_space<vmem>>, vector<16xf32>,
      %add3A_211 = arith.addf %add3A_208, %get3A_210 : vector<16xf32>
      %get3A_212 = arith.constant 864 : index
      %get3A_213 = tpu.vector_load %arg8[%get3A_212] {strides = array<i32>} : memref<1024xf32, #tpu.memory_space<vmem>>, vector<16xf32>,
      %add3A_214 = arith.addf %add3A_211, %get3A_213 : vector<16xf32>
      %get3A_215 = arith.constant 928 : index
      %get3A_216 = tpu.vector_load %arg8[%get3A_215] {strides = array<i32>} : memref<1024xf32, #tpu.memory_space<vmem>>, vector<16xf32>,
      %add3A_217 = arith.addf %add3A_214, %get3A_216 : vector<16xf32>
      %get3A_218 = arith.constant 992 : index
      %get3A_219 = tpu.vector_load %arg8[%get3A_218] {strides = array<i32>} : memref<1024xf32, #tpu.memory_space<vmem>>, vector<16xf32>,
      %add3A_220 = arith.addf %add3A_217, %get3A_219 : vector<16xf32>
      %mul3A_221 = arith.constant 3.05175781E-5 : f32
      %mul3A_222 = vector.broadcast %mul3A_221 : f32 to vector<16xf32>
      %mul3A_223 = arith.mulf %add3A_220, %mul3A_222 : vector<16xf32>
      %mul3A_224 = arith.mulf %mul3A_223, %mul3A_223 : vector<16xf32>
      %add3A_225 = arith.addf %add3A_170, %mul3A_224 : vector<16xf32>
      %broadcast_in_dim3A_226 = arith.constant 0.000000e+00 : f32
      %broadcast_in_dim3A_227 = vector.broadcast %broadcast_in_dim3A_226 : f32 to vector<16xf32>
      %get3A_228 = arith.constant 48 : index
      %get3A_229 = tpu.vector_load %arg8[%get3A_228] {strides = array<i32>} : memref<1024xf32, #tpu.memory_space<vmem>>, vector<16xf32>,
      %add3A_230 = arith.addf %broadcast_in_dim3A_227, %get3A_229 : vector<16xf32>
      %get3A_231 = arith.constant 112 : index
      %get3A_232 = tpu.vector_load %arg8[%get3A_231] {strides = array<i32>} : memref<1024xf32, #tpu.memory_space<vmem>>, vector<16xf32>,
      %add3A_233 = arith.addf %add3A_230, %get3A_232 : vector<16xf32>
      %get3A_234 = arith.constant 176 : index
      %get3A_235 = tpu.vector_load %arg8[%get3A_234] {strides = array<i32>} : memref<1024xf32, #tpu.memory_space<vmem>>, vector<16xf32>,
      %add3A_236 = arith.addf %add3A_233, %get3A_235 : vector<16xf32>
      %get3A_237 = arith.constant 240 : index
      %get3A_238 = tpu.vector_load %arg8[%get3A_237] {strides = array<i32>} : memref<1024xf32, #tpu.memory_space<vmem>>, vector<16xf32>,
      %add3A_239 = arith.addf %add3A_236, %get3A_238 : vector<16xf32>
      %get3A_240 = arith.constant 304 : index
      %get3A_241 = tpu.vector_load %arg8[%get3A_240] {strides = array<i32>} : memref<1024xf32, #tpu.memory_space<vmem>>, vector<16xf32>,
      %add3A_242 = arith.addf %add3A_239, %get3A_241 : vector<16xf32>
      %get3A_243 = arith.constant 368 : index
      %get3A_244 = tpu.vector_load %arg8[%get3A_243] {strides = array<i32>} : memref<1024xf32, #tpu.memory_space<vmem>>, vector<16xf32>,
      %add3A_245 = arith.addf %add3A_242, %get3A_244 : vector<16xf32>
      %get3A_246 = arith.constant 432 : index
      %get3A_247 = tpu.vector_load %arg8[%get3A_246] {strides = array<i32>} : memref<1024xf32, #tpu.memory_space<vmem>>, vector<16xf32>,
      %add3A_248 = arith.addf %add3A_245, %get3A_247 : vector<16xf32>
      %get3A_249 = arith.constant 496 : index
      %get3A_250 = tpu.vector_load %arg8[%get3A_249] {strides = array<i32>} : memref<1024xf32, #tpu.memory_space<vmem>>, vector<16xf32>,
      %add3A_251 = arith.addf %add3A_248, %get3A_250 : vector<16xf32>
      %get3A_252 = arith.constant 560 : index
      %get3A_253 = tpu.vector_load %arg8[%get3A_252] {strides = array<i32>} : memref<1024xf32, #tpu.memory_space<vmem>>, vector<16xf32>,
      %add3A_254 = arith.addf %add3A_251, %get3A_253 : vector<16xf32>
      %get3A_255 = arith.constant 624 : index
      %get3A_256 = tpu.vector_load %arg8[%get3A_255] {strides = array<i32>} : memref<1024xf32, #tpu.memory_space<vmem>>, vector<16xf32>,
      %add3A_257 = arith.addf %add3A_254, %get3A_256 : vector<16xf32>
      %get3A_258 = arith.constant 688 : index
      %get3A_259 = tpu.vector_load %arg8[%get3A_258] {strides = array<i32>} : memref<1024xf32, #tpu.memory_space<vmem>>, vector<16xf32>,
      %add3A_260 = arith.addf %add3A_257, %get3A_259 : vector<16xf32>
      %get3A_261 = arith.constant 752 : index
      %get3A_262 = tpu.vector_load %arg8[%get3A_261] {strides = array<i32>} : memref<1024xf32, #tpu.memory_space<vmem>>, vector<16xf32>,
      %add3A_263 = arith.addf %add3A_260, %get3A_262 : vector<16xf32>
      %get3A_264 = arith.constant 816 : index
      %get3A_265 = tpu.vector_load %arg8[%get3A_264] {strides = array<i32>} : memref<1024xf32, #tpu.memory_space<vmem>>, vector<16xf32>,
      %add3A_266 = arith.addf %add3A_263, %get3A_265 : vector<16xf32>
      %get3A_267 = arith.constant 880 : index
      %get3A_268 = tpu.vector_load %arg8[%get3A_267] {strides = array<i32>} : memref<1024xf32, #tpu.memory_space<vmem>>, vector<16xf32>,
      %add3A_269 = arith.addf %add3A_266, %get3A_268 : vector<16xf32>
      %get3A_270 = arith.constant 944 : index
      %get3A_271 = tpu.vector_load %arg8[%get3A_270] {strides = array<i32>} : memref<1024xf32, #tpu.memory_space<vmem>>, vector<16xf32>,
      %add3A_272 = arith.addf %add3A_269, %get3A_271 : vector<16xf32>
      %get3A_273 = arith.constant 1008 : index
      %get3A_274 = tpu.vector_load %arg8[%get3A_273] {strides = array<i32>} : memref<1024xf32, #tpu.memory_space<vmem>>, vector<16xf32>,
      %add3A_275 = arith.addf %add3A_272, %get3A_274 : vector<16xf32>
      %mul3A_276 = arith.constant 3.05175781E-5 : f32
      %mul3A_277 = vector.broadcast %mul3A_276 : f32 to vector<16xf32>
      %mul3A_278 = arith.mulf %add3A_275, %mul3A_277 : vector<16xf32>
      %mul3A_279 = arith.mulf %mul3A_278, %mul3A_278 : vector<16xf32>
      %add3A_280 = arith.addf %add3A_225, %mul3A_279 : vector<16xf32>
      %reduce_sum3A = arith.constant true
      %reduce_sum3A_281 = vector.broadcast %reduce_sum3A : i1 to vector<16xi1>
      %reduce_sum3A_282 = tpu.scan <sum>, %add3A_280 masked %reduce_sum3A_281 : vector<16xf32>, vector<16xi1> -> vector<16xf32>
      %reduce_sum3A_283 = vector.extract %reduce_sum3A_282[15] : f32 from vector<16xf32>
      %mul3A_284 = arith.constant 6.400000e+01 : f32
      %mul3A_285 = arith.mulf %mul3A_284, %reduce_sum3A_283 : f32
      %sub3A = arith.constant 1.000000e+00 : f32
      %sub3A_286 = arith.subf %mul3A_285, %sub3A : f32
      %mul3A_287 = arith.constant 0.00999999977 : f32
      %mul3A_288 = arith.mulf %mul3A_287, %sub3A_286 : f32
      %broadcast_in_dim3A_289 = vector.broadcast %mul3A_288 : f32 to vector<16xf32>
      %swap3A = arith.constant 0 : index
      %swap3A_290 = tpu.vector_load %arg6[%swap3A] {strides = array<i32>} : memref<64xf32, #tpu.memory_space<vmem>>, vector<16xf32>,
      tpu.vector_store %arg6[%swap3A], %broadcast_in_dim3A_289 {strides = array<i32>} : memref<64xf32, #tpu.memory_space<vmem>>, vector<16xf32>,
      "tpu.region"() ({
        %run_scoped3A = tpu.sem_alloc : memref<!tpu.dma_semaphore, #tpu.memory_space<semaphore_mem>>
        %dma_start3A_291 = arith.constant 0 : i32
        %dma_start3A_292 = tpu.memref_slice %arg6[%dma_start3A_291] : memref<64xf32, #tpu.memory_space<vmem>> -> memref<16xf32, #tpu.memory_space<vmem>>
        %dma_start3A_293 = arith.constant 0 : i32
        %dma_start3A_294 = tpu.memref_slice %arg6[%dma_start3A_293] : memref<64xf32, #tpu.memory_space<vmem>> -> memref<16xf32, #tpu.memory_space<vmem>>
        tpu.enqueue_dma source(%dma_start3A_294 : memref<16xf32, #tpu.memory_space<vmem>>) target(%arg3 : memref<16xf32, #tpu.memory_space<hbm>>) target_semaphore(%run_scoped3A : memref<!tpu.dma_semaphore, #tpu.memory_space<semaphore_mem>>)
        %dma_wait3A_295 = arith.constant 0 : i32
        %dma_wait3A_296 = tpu.memref_slice %arg6[%dma_wait3A_295] : memref<64xf32, #tpu.memory_space<vmem>> -> memref<16xf32, #tpu.memory_space<vmem>>
        %dma_wait3A_297 = arith.constant 0 : i32
        %dma_wait3A_298 = tpu.memref_slice %arg6[%dma_wait3A_297] : memref<64xf32, #tpu.memory_space<vmem>> -> memref<16xf32, #tpu.memory_space<vmem>>
        tpu.wait_dma2 semaphore(%run_scoped3A : memref<!tpu.dma_semaphore, #tpu.memory_space<semaphore_mem>>) src(%dma_wait3A_298 : memref<16xf32, #tpu.memory_space<vmem>>) dst(%arg3 : memref<16xf32, #tpu.memory_space<hbm>>)
        tpu.yield
      }) : () -> ()
    } else {
    }
    return
  }
}

</mosaic_0001>

<sc_bundles>
// kernel: kernel.3.cloned.1.call-start
scs
__scs_entry_jumppad:
0x0: {  	(pc) =	sbr.rel $0x88, $3  }
0x1: {  	(tag) =	ssettag $0x0;
	lr =	simm.s32 $0x1  }
0x2: {  	[smem:$0x3FA0] =	sst lr;
	_ =	strace $0xD0000000  }
0x3: {  	_ = 	snop  }
0x4: {  	_ = 	snop  }
0x5: {  	_ = 	snop  }
0x6: {  	_ = 	snop  }
0x7: {  	_ = 	snop  }
__scs_overlays_trampoline_lowered:
0x8: {  	[smem:$0x3FAF] =	sst s0  }
0x9: {  	[smem:$0x3FB0] =	sst s1  }
0xa: {  	[smem:$0x3FB1] =	sst s2  }
0xb: {  	[smem:$0x3FB2] =	sst s3  }
0xc: {  	[smem:$0x3FB3] =	sst s4  }
0xd: {  	[smem:$0x3FB4] =	sst s5  }
0xe: {  	[smem:$0x3FB5] =	sst s6  }
0xf: {  	[smem:$0x3FB6] =	sst s7  }
0x10: {  	[smem:$0x3FB7] =	sst s8  }
0x11: {  	[smem:$0x3FB8] =	sst s9;
	s0 =	simm.s32 @!p0 $0x0  }
0x12: {  	s1 =	sld [smem:$0x3F9E];
	s0 =	simm.s32 @p0 $0x1  }
0x13: {  	[smem:$0x3FB9] =	sst s0;
	s0 =	simm.s32 @!p1 $0x0  }
0x14: {  	s2 =	sld [smem:$0x3F9D];
	s0 =	simm.s32 @p1 $0x1  }
0x15: {  	[smem:$0x3FBA] =	sst s0;
	s0 =	simm.s32 @!p2 $0x0  }
0x16: {  	s3 =	sld [smem:$0x3FDB];
	s0 =	simm.s32 @p2 $0x1  }
0x17: {  	s4 =	simm.s32 $0x1BF5;
	[smem:$0x3FBC] =	sst s0  }
0x18: {  	s0 =	sld [smem:$0x3F9F];
	_ =	swait.ge [sflag:s4], $0x0  }
0x19: {  	s7 =	sld [smem:$0x3FA0]  }
0x1a: {  	s8 =	sadd.s32 $0xFFFFE003, lr  }
0x1b: {  	s9 =	sadd.s32 $0xFFFFFEF7, lr;
	s5 =	simm.s32 $0xFFFFFFFF;
	p2 =	slt.u32 s8, $0xFFFFF086  }
0x1c: {  	p1 =	slt.u32 s9, $0xF7A;
	s5 =	simm.s32 @!p2 $0x0  }
0x1d: {  	s5 =	simm.s32 @p1 $0x1;
	p0 =	seq.s32 s7, s2  }
0x1e: {  	s7 =	smul.u32 @!p0 $0xF7A, s2;
	p2 =	seq.s32 @!p0 s5, $0x0  }
0x1f: {  	s9 =	smul.u32 $0xF7A, s1;
	s8 =	simm.s32 @!p0 $0x1BF5;
	p2 =	por !p2, p0  }
0x20: {  	[sflag:s8] =	ssyncset.s32 @!p0 $0xFFFFF086;
	s6 =	sadd.s32 @!p0 s3, s7;
	s7 =	simm.s32 @!p0 $0x108  }
0x21: {  	s3 =	sadd.s32 s3, s9;
	s6 =	sadd.s32 @!p0 $0x88, s6;
	s7 =	simm.s32 @p2 $0x1082  }
0x22: {  	[simem:s7], [sflag:s8] =	dma.local @!p0 [hbm:s6], $0xF7A  }
0x23: {  	s9 =	sor.u32 $0xD0000000, s2;
	s6 =	simm.s32 $0x108;
	_ =	swait.ge @!p0 [sflag:s8], $0x0  }
0x24: {  	s3 =	sadd.s32 $0x88, s3;
	s6 =	simm.s32 @!p1 $0x1082;
	[sflag:s4] =	ssyncset.s32 $0xFFFFF086  }
0x25: {  	[simem:s6], [sflag:s4] =	dma.local [hbm:s3], $0xF7A  }
0x26: {  	[smem:$0x3FA0] =	sst s1;
	(tag) =	ssettag s2;
	_ =	strace s9  }
0x27: {  	s1 =	sld [smem:$0x3FB0]  }
0x28: {  	s2 =	sld [smem:$0x3FB1]  }
0x29: {  	s4 =	sld [smem:$0x3FB3]  }
0x2a: {  	p0 =	seq.s32 s5, $0x0;
	s5 =	sld [smem:$0x3FB4]  }
0x2b: {  	s6 =	sld [smem:$0x3FB5]  }
0x2c: {  	s7 =	sld [smem:$0x3FB6]  }
0x2d: {  	s3 =	simm.s32 $0x108;
	s8 =	sld [smem:$0x3FB7]  }
0x2e: {  	s3 =	simm.s32 @!p0 $0x1082;
	s9 =	sld [smem:$0x3FB8]  }
0x2f: {  	lr =	sadd.s32 s0, s3;
	s0 =	sld [smem:$0x3FAF]  }
0x30: {  	s3 =	sld [smem:$0x3FB2]  }
0x31: {  	[smem:$0x3FBB] =	sst s10  }
0x32: {  	s10 =	sld [smem:$0x3FB9];
	_ =	sdelay $0x3  }
0x33: {  	p0 =	seq.s32 s10, $0x1;
	s10 =	sld [smem:$0x3FBB];
	_ =	sdelay $0x3  }
0x34: {  	[smem:$0x3FBB] =	sst s10  }
0x35: {  	s10 =	sld [smem:$0x3FBA];
	_ =	sdelay $0x3  }
0x36: {  	p1 =	seq.s32 s10, $0x1;
	s10 =	sld [smem:$0x3FBB];
	_ =	sdelay $0x3  }
0x37: {  	[smem:$0x3FBB] =	sst s10  }
0x38: {  	s10 =	sld [smem:$0x3FBC]  }
0x39: {  	_ = 	snop;
	(pc) =	sbr.ind lr, $3  }
0x3a: {  	_ = 	snop  }
0x3b: {  	_ = 	snop  }
0x3c: {  	p2 =	seq.s32 s10, $0x1;
	s10 =	sld [smem:$0x3FBB]  }
0x3d: {  	_ =	shalt  }
0x3e: {  	_ =	shalt  }
0x3f: {  	_ =	shalt  }
0x40: {  	_ =	shalt  }
0x41: {  	_ =	shalt  }
0x42: {  	_ =	shalt  }
0x43: {  	_ =	shalt  }
0x44: {  	_ =	shalt  }
0x45: {  	_ =	shalt  }
0x46: {  	_ =	shalt  }
0x47: {  	_ =	shalt  }
0x48: {  	_ =	shalt  }
0x49: {  	_ =	shalt  }
0x4a: {  	_ =	shalt  }
0x4b: {  	_ =	shalt  }
0x4c: {  	_ =	shalt  }
0x4d: {  	_ =	shalt  }
0x4e: {  	_ =	shalt  }
0x4f: {  	_ =	shalt  }
0x50: {  	_ =	shalt  }
0x51: {  	_ =	shalt  }
0x52: {  	_ =	shalt  }
0x53: {  	_ =	shalt  }
0x54: {  	_ =	shalt  }
0x55: {  	_ =	shalt  }
0x56: {  	_ =	shalt  }
0x57: {  	_ =	shalt  }
0x58: {  	_ =	shalt  }
0x59: {  	_ =	shalt  }
0x5a: {  	_ =	shalt  }
0x5b: {  	_ =	shalt  }
0x5c: {  	_ =	shalt  }
0x5d: {  	_ =	shalt  }
0x5e: {  	_ =	shalt  }
0x5f: {  	_ =	shalt  }
0x60: {  	_ =	shalt  }
0x61: {  	_ =	shalt  }
0x62: {  	_ =	shalt  }
0x63: {  	_ =	shalt  }
0x64: {  	_ =	shalt  }
0x65: {  	_ =	shalt  }
0x66: {  	_ =	shalt  }
0x67: {  	_ =	shalt  }
0x68: {  	_ =	shalt  }
0x69: {  	_ =	shalt  }
0x6a: {  	_ =	shalt  }
0x6b: {  	_ =	shalt  }
0x6c: {  	_ =	shalt  }
0x6d: {  	_ =	shalt  }
0x6e: {  	_ =	shalt  }
0x6f: {  	_ =	shalt  }
0x70: {  	_ =	shalt  }
0x71: {  	_ =	shalt  }
0x72: {  	_ =	shalt  }
0x73: {  	_ =	shalt  }
0x74: {  	_ =	shalt  }
0x75: {  	_ =	shalt  }
0x76: {  	_ =	shalt  }
0x77: {  	_ =	shalt  }
0x78: {  	_ =	shalt  }
0x79: {  	_ =	shalt  }
0x7a: {  	_ =	shalt  }
0x7b: {  	_ =	shalt  }
0x7c: {  	_ =	shalt  }
0x7d: {  	_ =	shalt  }
0x7e: {  	_ =	shalt  }
0x7f: {  	_ =	shalt  }
0x80: {  	_ =	shalt  }
0x81: {  	_ =	shalt  }
0x82: {  	_ =	shalt  }
0x83: {  	_ =	shalt  }
0x84: {  	_ =	shalt  }
0x85: {  	_ =	shalt  }
0x86: {  	_ =	shalt  }
0x87: {  	_ =	shalt  }
.Lfunc_end0:
.L_simem_size_0:
called_computation_lowered:
.L_overlay_start_0:
0x88: {  	s0 =	sld [smem:$0x3FD9]  }
0x89: {  	s1 =	sld [smem:$0x3FFE];
	_ =	sdelay $0x3  }
0x8a: {  	s0 =	sadd.s32 s1, s0  }
0x8b: {  	[smem:$0x3FC7] =	sst s0  }
0x8c: {  	_ = 	snop  }
0x8d: {  	s0 =	sld [smem:$0x3FC9]  }
0x8e: {  	s17 =	sld [smem:$0x3FD0];
	(tm) =	ssettm $0x1  }
0x8f: {  	s2 =	sld [smem:$0x3FFB];
	_ =	sdelay $0x3  }
0x90: {  	_ =	strace s2  }
0x91: {  	s2 =	sld [smem:$0x3FFC];
	_ =	sdelay $0x3  }
0x92: {  	_ =	strace s2  }
0x93: {  	s2 =	sld [smem:$0x3FFD];
	_ =	sdelay $0x3  }
0x94: {  	_ =	strace s2  }
0x95: {  	_ =	strace $0x8FFFFFFF  }
0x96: {  	s18 =	sld [smem:$0x3FDB];
	_ =	sdelay $0x1  }
0x97: {  	s3 =	simm.s32 $_scs_section_size  }
0x98: {  	s4 =	simm.s32 $_size__tile_overlayer_lowered;
	s5 =	simm.s32 $_tile_overlayer_lowered  }
0x99: {  	s21 =	simm.s32 $0x1BFF;
	s20 =	sshll.u32 s5, $0x1;
	s2 =	sadd.s32 s3, s18  }
0x9a: {  	s6 =	simm.s32 $0x0;
	s19 =	sshll.u32 s4, $0x1;
	s4 =	sadd.s32 s20, s2  }
0x9b: {  	[timem:s6], [sflag:s21] =	dma.local [hbm:s4], s19  }
0x9c: {  	_ =	swait.ge [sflag:s21], s19  }
0x9d: {  	s3 =	ssub.s32 $0x0, s19;
	[sflag:s21] =	ssyncset.done $0x0  }
0x9e: {  	[sflag:s21] =	ssyncadd.s32 s3;
	_ =	sdelay $0x1  }
0x9f: {  	s22 =	simm.s32 $0x1B8B  }
0xa0: {  	_ =	swait.ge [sflag:s22], $0x1  }
0xa1: {  	[sflag:s22] =	ssyncset.done $0x0  }
0xa2: {  	s23 =	simm.s32 $0x1B8E;
	[sflag:s22] =	ssyncadd.s32 $0xFFFFFFFF  }
0xa3: {  	s24 =	simm.s32 $execute0_lowered;
	[smem:$0x3FD2] =	sst s23  }
0xa4: {  	s3 =	sshll.u32 s24, $0x1;
	_ =	strace $0x80000046;
	[dreg:$0x1] =	wrdreg $0xFFFFFFFF  }
0xa5: {  	s25 =	simm.s32 $_size_execute0_lowered;
	s2 =	sadd.s32 s2, s3;
	[dreg:$0x0] =	wrdreg $0x0  }
0xa6: {  	s3 =	sshll.u32 s25, $0x1;
	[dreg:$0x2] =	wrdreg s2  }
0xa7: {  	[dreg:$0x3] =	wrdreg s3  }
0xa8: {  	[dreg:$0x4] =	wrdreg $0xC0  }
0xa9: {  	_ =	task [dreg:s6], $0x5FFFF  }
0xaa: {  	[dreg:$0x1] =	wrdreg $0xFFFFFFFF  }
0xab: {  	[dreg:$0x0] =	wrdreg $0x60  }
0xac: {  	[dreg:$0x2] =	wrdreg s0  }
0xad: {  	[dreg:$0x3] =	wrdreg s17  }
0xae: {  	[dreg:$0x4] =	wrdreg $0x44800  }
0xaf: {  	[dreg:$0x5] =	wrdreg $0x9  }
0xb0: {  	_ =	task.clear_ibuf [dreg:s6], $0x6FFFF;
	_ =	strace $0x90000046  }
0xb1: {  	s26 =	simm.s32 $0x9;
	_ =	strace $0x80000048  }
0xb2: {  	_ =	swait.ge [sflag:s26], $0x1  }
0xb3: {  	[sflag:s26] =	ssyncadd.s32 $0xFFFFFFFF  }
0xb4: {  	_ =	strace $0x90000048  }
0xb5: {  	_ =	sfence  }
0xb6: {  	s28 =	sld [smem:$0x0];
	_ =	sdelay $0x1  }
0xb7: {  	s29 =	srdreg.scid  }
0xb8: {  	s30 =	sshll.u32 s29, $0xD;
	s31 =	sshrl.u32 s29, $0x2  }
0xb9: {  	s1 =	sand.u32 $0x1, s29;
	s2 =	sand.u32 $0x4000, s30;
	s0 =	sadd.s32 s31, s28  }
0xba: {  	s1 =	sor.u32 s2, s1;
	s0 =	sshll.u32 s0, $0x11  }
0xbb: {  	s0 =	sor.u32 s0, s1  }
0xbc: {  	s0 =	sadd.s32 $0x8F2B, s0  }
0xbd: {  	[sflag:s0] =	ssyncadd.remote.s32 $0x1  }
0xbe: {  	_ =	sfence.sel $0xFFFF  }
0xbf: {  	[dreg:$0x0] =	wrdreg $0xFFFFFFFF;
	(pc) =	sbr.abs _section_cstart, $3  }
0xc0: {  	[dreg:$0x1] =	wrdreg $0xFFFFFFFF  }
0xc1: {  	_ =	task.clear_ibuf [dreg:s6], $0x2FFFF;
	_ =	strace $0x9FFFFFFF  }
0xc2: {  	(tm) =	ssettm $0x7FFFFFFF  }
0xc3: {  	_ =	shalt  }
tec
execute0_lowered:
.L_overlay_start_1:
0x0: {  	(tag) =	ssettag $0x1  }
0x1: {  	s5 =	rddreg [dreg:$0x0];
	s3 =	stileid.u32  }
0x2: {  	s1 =	rddreg [dreg:$0x1];
	s6 =	sshll.u32 s3, $0xE;
	s4 =	sshll.u32 s3, $0x8  }
0x3: {  	s2 =	rddreg [dreg:$0x2];
	s6 =	sor.u32 s4, s6  }
0x4: {  	s0 =	rddreg [dreg:$0x3];
	s7 =	simm.s32 $0x0;
	s6 =	sand.u32 $0x30300, s6  }
0x5: {  	s30 =	simm.s32 $0x80;
	[smem:$0x7FF] =	sst s7;
	s6 =	sshrl.u32 s6, $0x3  }
0x6: {  	s8 =	simm.s32 $0x400;
	_ =	strace $0x80000047;
	s5 =	sadd.s32 s5, s6  }
0x7: {  	[tilespmem:s7], [sflag:$0x1] =	stream.strided.gather [hbm4b:s5+s30], $0x2000, s8, s30, $0x38;
	[tilespmem:$0x48C0] =	vst v63  }
0x8: {  	s31 =	simm.s32 $0x2000;
	s5 =	sadd.s32 $0x10, s5  }
0x9: {  	[tilespmem:s31], [sflag:$0x2] =	stream.strided.gather [hbm4b:s5+s30], $0x2000, s8, s30, $0x38;
	[tilespmem:$0x48C0] =	vst v63  }
0xa: {  	v0 =	vimm.f32 $0.0e+00;
	s5 =	simm.s32 $0x4020  }
0xb: {  	[tilespmem:s5+$0xFFFFFFE0] =	vst v0  }
0xc: {  	[tilespmem:s5+$0x10] =	vst v0  }
0xd: {  	s6 =	simm.s32 $0x0;
	[tilespmem:s5+$0x0] =	vst v0  }
.LBB2_1:
0xe: {  	s6 =	sadd.s32 $0x4, s6  }
0xf: {  	[tilespmem:s5+$0xFFFFFFF0] =	vst v0;
	s5 =	sadd.s32 $0x40, s5;
	p0 =	slt.u32 s6, $0x3C  }
.Ltmp0:
0x10: {  	[tilespmem:s5+$0xFFFFFFE0] =	vst v0;
	(pc) =	sbr.rel @p0 .LBB2_1-.Ltmp0, $3  }
0x11: {  	_ =	sdelay $0x1  }
0x12: {  	[tilespmem:s5+$0x10] =	vst v0  }
0x13: {  	[tilespmem:s5+$0x0] =	vst v0  }
0x14: {  	[tilespmem:s5+$0xFFFFFFF0] =	vst v0;
	s30 =	simm.s32 $0x1  }
0x15: {  	_ =	swait.ge [sflag:s30], $0x2000  }
0x16: {  	[sflag:s30] =	ssyncset.done $0x0  }
0x17: {  	s31 =	simm.s32 $0x40;
	[sflag:s30] =	ssyncadd.s32 $0xFFFFE000  }
0x18: {  	v1 =	vld [tilespmem:s31+$0x30]  }
0x19: {  	v2 =	vld [tilespmem:s31+$0xFFFFFFD0]  }
0x1a: {  	v5 =	vld [tilespmem:s31+$0x0]  }
0x1b: {  	v3 =	vld [tilespmem:s31+$0xFFFFFFE0]  }
0x1c: {  	v4 =	vld [tilespmem:s31+$0xFFFFFFF0]  }
0x1d: {  	v0 =	vlaneseq.u32;
	v1 =	vshll.u32 v1, $0x4  }
0x1e: {  	v2 =	vshll.u32 v2, $0x4;
	v6 =	vor.u32 v0, v1  }
0x1f: {  	v7 =	vld [tilespmem:s31+$0x10];
	v5 =	vshll.u32 v5, $0x4;
	v2 =	vor.u32 v0, v2  }
0x20: {  	v1 =	vshll.u32 v3, $0x4;
	v3 =	vld [tilespmem:s31+$0x20];
	v5 =	vor.u32 v0, v5  }
0x21: {  	v8 =	vor.u32 v0, v1;
	v1 =	vshll.u32 v4, $0x4;
	v4 =	vld [tilespmem:s31+$0xFFFFFFC0]  }
0x22: {  	s5 =	simm.s32 $0x4000;
	v9 =	vor.u32 v0, v1;
	v1 =	vimm.f32 $1.000000000e+00  }
0x23: {  	[tilespmem:v6+s5+$0x0] =	vst.idx.add.f32.msk $0xffff, v1  }
0x24: {  	[tilespmem:v2+s5+$0x0] =	vst.idx.add.f32.msk $0xffff, v1  }
0x25: {  	v2 =	vshll.u32 v7, $0x4;
	[tilespmem:v5+s5+$0x0] =	vst.idx.add.f32.msk $0xffff, v1  }
0x26: {  	v3 =	vshll.u32 v3, $0x4;
	[tilespmem:v8+s5+$0x0] =	vst.idx.add.f32.msk $0xffff, v1;
	v2 =	vor.u32 v0, v2;
	v4 =	vshll.u32 v4, $0x4  }
0x27: {  	s6 =	simm.s32 $0x0;
	s7 =	simm.s32 $0xC0;
	v3 =	vor.u32 v0, v3;
	[tilespmem:v9+s5+$0x0] =	vst.idx.add.f32.msk $0xffff, v1;
	v4 =	vor.u32 v0, v4  }
.LBB2_3:
0x28: {  	v5 =	vld [tilespmem:s7+$0x30];
	s6 =	sadd.s32 $0x8, s6  }
0x29: {  	v6 =	vld [tilespmem:s7+$0xFFFFFFD0];
	p0 =	slt.u32 s6, $0x1F8  }
0x2a: {  	v7 =	vld [tilespmem:s7+$0xFFFFFFE0]  }
0x2b: {  	v8 =	vld [tilespmem:s7+$0xFFFFFFF0]  }
0x2c: {  	v9 =	vld [tilespmem:s7+$0x0]  }
0x2d: {  	v10 =	vld [tilespmem:s7+$0x10];
	v5 =	vshll.u32 v5, $0x4  }
0x2e: {  	v6 =	vshll.u32 v6, $0x4;
	v11 =	vld [tilespmem:s7+$0x20];
	v5 =	vor.u32 v0, v5  }
0x2f: {  	v12 =	vld [tilespmem:s7+$0xFFFFFFC0];
	v6 =	vor.u32 v0, v6;
	v7 =	vshll.u32 v7, $0x4  }
0x30: {  	v7 =	vor.u32 v0, v7;
	v8 =	vshll.u32 v8, $0x4;
	[tilespmem:v4+s5+$0x0] =	vst.idx.add.f32.msk $0xffff, v1  }
0x31: {  	v8 =	vor.u32 v0, v8;
	v4 =	vshll.u32 v9, $0x4;
	[tilespmem:v2+s5+$0x0] =	vst.idx.add.f32.msk $0xffff, v1  }
0x32: {  	v9 =	vor.u32 v0, v4;
	v2 =	vshll.u32 v10, $0x4;
	[tilespmem:v3+s5+$0x0] =	vst.idx.add.f32.msk $0xffff, v1  }
.Ltmp1:
0x33: {  	v2 =	vor.u32 v0, v2;
	v3 =	vshll.u32 v11, $0x4;
	[tilespmem:v5+s5+$0x0] =	vst.idx.add.f32.msk $0xffff, v1;
	(pc) =	sbr.rel @p0 .LBB2_3-.Ltmp1, $4  }
0x34: {  	v4 =	vshll.u32 v12, $0x4;
	[tilespmem:v6+s5+$0x0] =	vst.idx.add.f32.msk $0xffff, v1;
	v3 =	vor.u32 v0, v3  }
0x35: {  	v4 =	vor.u32 v0, v4;
	[tilespmem:v7+s5+$0x0] =	vst.idx.add.f32.msk $0xffff, v1  }
0x36: {  	[tilespmem:v8+s5+$0x0] =	vst.idx.add.f32.msk $0xffff, v1  }
0x37: {  	s7 =	sadd.s32 $0x80, s7;
	[tilespmem:v9+s5+$0x0] =	vst.idx.add.f32.msk $0xffff, v1  }
0x38: {  	_ =	sdelay $0x3  }
0x39: {  	[tilespmem:v4+s5+$0x0] =	vst.idx.add.f32.msk $0xffff, v1  }
0x3a: {  	[tilespmem:v2+s5+$0x0] =	vst.idx.add.f32.msk $0xffff, v1  }
0x3b: {  	[tilespmem:v3+s5+$0x0] =	vst.idx.add.f32.msk $0xffff, v1;
	s30 =	simm.s32 $0x2  }
0x3c: {  	_ =	swait.ge [sflag:s30], $0x2000  }
0x3d: {  	[sflag:s30] =	ssyncset.done $0x0  }
0x3e: {  	s31 =	simm.s32 $0x2070;
	[sflag:s30] =	ssyncadd.s32 $0xFFFFE000  }
0x3f: {  	v1 =	vld [tilespmem:s31+$0x0]  }
0x40: {  	v2 =	vld [tilespmem:s31+$0xFFFFFFA0]  }
0x41: {  	v5 =	vld [tilespmem:s31+$0xFFFFFFD0]  }
0x42: {  	v3 =	vld [tilespmem:s31+$0xFFFFFFB0]  }
0x43: {  	v4 =	vld [tilespmem:s31+$0xFFFFFFC0]  }
0x44: {  	v0 =	vlaneseq.u32;
	v1 =	vshll.u32 v1, $0x4  }
0x45: {  	v2 =	vshll.u32 v2, $0x4;
	v6 =	vor.u32 v0, v1  }
0x46: {  	v7 =	vld [tilespmem:s31+$0xFFFFFFE0];
	v5 =	vshll.u32 v5, $0x4;
	v2 =	vor.u32 v0, v2  }
0x47: {  	v1 =	vshll.u32 v3, $0x4;
	v3 =	vld [tilespmem:s31+$0xFFFFFFF0];
	v5 =	vor.u32 v0, v5  }
0x48: {  	v8 =	vor.u32 v0, v1;
	v1 =	vshll.u32 v4, $0x4;
	v4 =	vld [tilespmem:s31+$0xFFFFFF90]  }
0x49: {  	s5 =	simm.s32 $0x4000;
	v9 =	vor.u32 v0, v1;
	v1 =	vimm.f32 $1.000000000e+00  }
0x4a: {  	[tilespmem:v6+s5+$0x0] =	vst.idx.add.f32.msk $0xffff, v1  }
0x4b: {  	[tilespmem:v2+s5+$0x0] =	vst.idx.add.f32.msk $0xffff, v1  }
0x4c: {  	v2 =	vshll.u32 v7, $0x4;
	[tilespmem:v5+s5+$0x0] =	vst.idx.add.f32.msk $0xffff, v1  }
0x4d: {  	v3 =	vshll.u32 v3, $0x4;
	[tilespmem:v8+s5+$0x0] =	vst.idx.add.f32.msk $0xffff, v1;
	v2 =	vor.u32 v0, v2;
	v4 =	vshll.u32 v4, $0x4  }
0x4e: {  	s6 =	simm.s32 $0x200;
	s7 =	simm.s32 $0x20F0;
	v3 =	vor.u32 v0, v3;
	[tilespmem:v9+s5+$0x0] =	vst.idx.add.f32.msk $0xffff, v1;
	v4 =	vor.u32 v0, v4  }
.LBB2_5:
0x4f: {  	v5 =	vld [tilespmem:s7+$0x0];
	s6 =	sadd.s32 $0x8, s6  }
0x50: {  	v6 =	vld [tilespmem:s7+$0xFFFFFFA0];
	p0 =	slt.u32 s6, $0x3F8  }
0x51: {  	v7 =	vld [tilespmem:s7+$0xFFFFFFB0]  }
0x52: {  	v8 =	vld [tilespmem:s7+$0xFFFFFFC0]  }
0x53: {  	v9 =	vld [tilespmem:s7+$0xFFFFFFD0]  }
0x54: {  	v10 =	vld [tilespmem:s7+$0xFFFFFFE0];
	v5 =	vshll.u32 v5, $0x4  }
0x55: {  	v6 =	vshll.u32 v6, $0x4;
	v11 =	vld [tilespmem:s7+$0xFFFFFFF0];
	v5 =	vor.u32 v0, v5  }
0x56: {  	v12 =	vld [tilespmem:s7+$0xFFFFFF90];
	v6 =	vor.u32 v0, v6;
	v7 =	vshll.u32 v7, $0x4  }
0x57: {  	v7 =	vor.u32 v0, v7;
	v8 =	vshll.u32 v8, $0x4;
	[tilespmem:v4+s5+$0x0] =	vst.idx.add.f32.msk $0xffff, v1  }
0x58: {  	v8 =	vor.u32 v0, v8;
	v4 =	vshll.u32 v9, $0x4;
	[tilespmem:v2+s5+$0x0] =	vst.idx.add.f32.msk $0xffff, v1  }
0x59: {  	v9 =	vor.u32 v0, v4;
	v2 =	vshll.u32 v10, $0x4;
	[tilespmem:v3+s5+$0x0] =	vst.idx.add.f32.msk $0xffff, v1  }
.Ltmp2:
0x5a: {  	v2 =	vor.u32 v0, v2;
	v3 =	vshll.u32 v11, $0x4;
	[tilespmem:v5+s5+$0x0] =	vst.idx.add.f32.msk $0xffff, v1;
	(pc) =	sbr.rel @p0 .LBB2_5-.Ltmp2, $4  }
0x5b: {  	v4 =	vshll.u32 v12, $0x4;
	[tilespmem:v6+s5+$0x0] =	vst.idx.add.f32.msk $0xffff, v1;
	v3 =	vor.u32 v0, v3  }
0x5c: {  	v4 =	vor.u32 v0, v4;
	[tilespmem:v7+s5+$0x0] =	vst.idx.add.f32.msk $0xffff, v1  }
0x5d: {  	[tilespmem:v8+s5+$0x0] =	vst.idx.add.f32.msk $0xffff, v1  }
0x5e: {  	s7 =	sadd.s32 $0x80, s7;
	[tilespmem:v9+s5+$0x0] =	vst.idx.add.f32.msk $0xffff, v1  }
0x5f: {  	s6 =	simm.s32 $0x0;
	v0 =	vlaneseq.u32  }
0x60: {  	v0 =	vmul.u32 $0x10, v0;
	v5 =	vmov s6  }
0x61: {  	v5 =	vshll.u32 v5, $0x4  }
0x62: {  	v5 =	vor.u32 v0, v5;
	_ =	sdelay $0x1  }
0x63: {  	[tilespmem:v4+s5+$0x0] =	vst.idx.add.f32.msk $0xffff, v1;
	v4 =	vor.u32 $0x1, v5  }
0x64: {  	[tilespmem:v2+s5+$0x0] =	vst.idx.add.f32.msk $0xffff, v1  }
0x65: {  	[tilespmem:v3+s5+$0x0] =	vst.idx.add.f32.msk $0xffff, v1;
	s5 =	simm.s32 $0x4000;
	v1 =	vor.u32 $0x2, v5  }
0x66: {  	v2 =	vld.idx.msk [tilespmem:v5+s5+$0x0], $0xffff  }
0x67: {  	v3 =	vor.u32 $0x3, v5  }
0x68: {  	v4 =	vld.idx.msk [tilespmem:v4+s5+$0x0], $0xffff  }
0x69: {  	v6 =	vor.u32 $0x4, v5  }
0x6a: {  	v1 =	vld.idx.msk [tilespmem:v1+s5+$0x0], $0xffff  }
0x6b: {  	v7 =	vor.u32 $0x5, v5;
	v2 =	vadd.f32 $0.0e+00, v2  }
0x6c: {  	v3 =	vld.idx.msk [tilespmem:v3+s5+$0x0], $0xffff  }
0x6d: {  	v8 =	vor.u32 $0x6, v5;
	v2 =	vadd.f32 v4, v2  }
0x6e: {  	v4 =	vld.idx.msk [tilespmem:v6+s5+$0x0], $0xffff  }
0x6f: {  	v6 =	vor.u32 $0x7, v5;
	v1 =	vadd.f32 v1, v2  }
0x70: {  	v2 =	vld.idx.msk [tilespmem:v7+s5+$0x0], $0xffff  }
0x71: {  	v7 =	vor.u32 $0x8, v5;
	v1 =	vadd.f32 v3, v1  }
0x72: {  	v3 =	vld.idx.msk [tilespmem:v8+s5+$0x0], $0xffff  }
0x73: {  	s31 =	simm.s32 $0x10;
	v8 =	vor.u32 $0x9, v5;
	v1 =	vadd.f32 v4, v1  }
0x74: {  	v9 =	vmov s31;
	v4 =	vld.idx.msk [tilespmem:v6+s5+$0x0], $0xffff  }
0x75: {  	v9 =	vshll.u32 v9, $0x4;
	v6 =	vor.u32 $0xA, v5;
	v1 =	vadd.f32 v2, v1  }
0x76: {  	v11 =	vor.u32 v0, v9;
	v7 =	vld.idx.msk [tilespmem:v7+s5+$0x0], $0xffff  }
0x77: {  	v2 =	vor.u32 $0xB, v5;
	v1 =	vadd.f32 v3, v1  }
0x78: {  	v8 =	vld.idx.msk [tilespmem:v8+s5+$0x0], $0xffff;
	v3 =	vor.u32 $0xC, v5  }
0x79: {  	v9 =	vor.u32 $0x1, v11;
	v1 =	vadd.f32 v4, v1  }
0x7a: {  	v6 =	vld.idx.msk [tilespmem:v6+s5+$0x0], $0xffff;
	v4 =	vor.u32 $0xD, v5  }
0x7b: {  	v10 =	vor.u32 $0x2, v11;
	v12 =	vld.idx.msk [tilespmem:v11+s5+$0x0], $0xffff;
	v1 =	vadd.f32 v7, v1  }
0x7c: {  	v2 =	vld.idx.msk [tilespmem:v2+s5+$0x0], $0xffff;
	v7 =	vor.u32 $0xE, v5  }
0x7d: {  	v13 =	vor.u32 $0x3, v11;
	v3 =	vld.idx.msk [tilespmem:v3+s5+$0x0], $0xffff;
	v1 =	vadd.f32 v8, v1  }
0x7e: {  	v5 =	vor.u32 $0xF, v5;
	v8 =	vld.idx.msk [tilespmem:v9+s5+$0x0], $0xffff  }
0x7f: {  	v9 =	vor.u32 $0x4, v11;
	v4 =	vld.idx.msk [tilespmem:v4+s5+$0x0], $0xffff;
	v1 =	vadd.f32 v6, v1  }
0x80: {  	v6 =	vld.idx.msk [tilespmem:v10+s5+$0x0], $0xffff  }
0x81: {  	v1 =	vadd.f32 v2, v1;
	v2 =	vld.idx.msk [tilespmem:v7+s5+$0x0], $0xffff;
	v7 =	vadd.f32 $0.0e+00, v12  }
0x82: {  	v10 =	vor.u32 $0x5, v11;
	v12 =	vld.idx.msk [tilespmem:v13+s5+$0x0], $0xffff  }
0x83: {  	v14 =	vld.idx.msk [tilespmem:v5+s5+$0x0], $0xffff;
	v13 =	vor.u32 $0x6, v11;
	v1 =	vadd.f32 v3, v1;
	v3 =	vadd.f32 v8, v7  }
0x84: {  	v15 =	vor.u32 $0x7, v11;
	v16 =	vld.idx.msk [tilespmem:v9+s5+$0x0], $0xffff  }
0x85: {  	v1 =	vadd.f32 v4, v1;
	v3 =	vadd.f32 v6, v3  }
0x86: {  	v5 =	vor.u32 $0xB, v11;
	v8 =	vor.u32 $0x8, v11;
	v7 =	vor.u32 $0x9, v11  }
0x87: {  	v9 =	vld.idx.msk [tilespmem:v10+s5+$0x0], $0xffff;
	v6 =	vor.u32 $0xA, v11;
	v17 =	vadd.f32 v2, v1;
	v18 =	vadd.f32 v12, v3  }
0x88: {  	v4 =	vor.u32 $0xF, v11;
	v10 =	vld.idx.msk [tilespmem:v13+s5+$0x0], $0xffff;
	v3 =	vor.u32 $0xC, v11;
	v2 =	vor.u32 $0xD, v11  }
0x89: {  	s7 =	simm.s32 $0x20;
	s6 =	simm.s32 $0x4400;
	v1 =	vor.u32 $0xE, v11;
	v11 =	vld.idx.msk [tilespmem:v15+s5+$0x0], $0xffff;
	v12 =	vadd.f32 v14, v17;
	v13 =	vadd.f32 v16, v18  }
.LBB2_7:
0x8a: {  	p0 =	sne.s32 s7, $0x30  }
0x8b: {  	[tilespmem:s6+$0x0] =	vst v12;
	s6 =	sadd.s32 $0x10, s6;
	s8 =	smov.u32 s7;
	s7 =	sadd.s32 $0x10, s7  }
0x8c: {  	v12 =	vmov s8;
	v9 =	vadd.f32 v9, v13;
	v13 =	vld.idx.msk [tilespmem:v8+s5+$0x0], $0xffff  }
0x8d: {  	v8 =	vshll.u32 v12, $0x4  }
0x8e: {  	v12 =	vor.u32 v0, v8;
	v8 =	vadd.f32 v10, v9;
	v9 =	vld.idx.msk [tilespmem:v7+s5+$0x0], $0xffff  }
0x8f: {  	v10 =	vor.u32 $0x1, v12;
	v14 =	vor.u32 $0x2, v12;
	v15 =	vor.u32 $0x3, v12  }
0x90: {  	v16 =	vor.u32 $0x4, v12;
	v17 =	vor.u32 $0x5, v12;
	v11 =	vadd.f32 v11, v8;
	v18 =	vld.idx.msk [tilespmem:v6+s5+$0x0], $0xffff  }
0x91: {  	v19 =	vor.u32 $0x6, v12;
	v20 =	vor.u32 $0x7, v12;
	v8 =	vor.u32 $0x8, v12  }
0x92: {  	v7 =	vor.u32 $0x9, v12;
	v6 =	vor.u32 $0xA, v12;
	v11 =	vadd.f32 v13, v11;
	v13 =	vld.idx.msk [tilespmem:v5+s5+$0x0], $0xffff  }
0x93: {  	v22 =	vor.u32 $0xC, v12;
	v23 =	vor.u32 $0xD, v12;
	v5 =	vor.u32 $0xB, v12;
	v21 =	vld.idx.msk [tilespmem:v12+s5+$0x0], $0xffff  }
0x94: {  	v24 =	vor.u32 $0xE, v12;
	v12 =	vor.u32 $0xF, v12;
	v9 =	vadd.f32 v9, v11;
	v11 =	vld.idx.msk [tilespmem:v3+s5+$0x0], $0xffff;
	v3 =	vmovc v22  }
0x95: {  	v10 =	vld.idx.msk [tilespmem:v10+s5+$0x0], $0xffff  }
0x96: {  	v9 =	vadd.f32 v18, v9;
	v18 =	vld.idx.msk [tilespmem:v2+s5+$0x0], $0xffff;
	v2 =	vmov v23  }
0x97: {  	v14 =	vld.idx.msk [tilespmem:v14+s5+$0x0], $0xffff  }
0x98: {  	v9 =	vadd.f32 v13, v9;
	v13 =	vld.idx.msk [tilespmem:v1+s5+$0x0], $0xffff;
	v1 =	vmov v24  }
0x99: {  	v21 =	vadd.f32 $0.0e+00, v21;
	v15 =	vld.idx.msk [tilespmem:v15+s5+$0x0], $0xffff  }
0x9a: {  	v9 =	vadd.f32 v11, v9;
	v11 =	vld.idx.msk [tilespmem:v4+s5+$0x0], $0xffff;
	v4 =	vmov v12  }
0x9b: {  	v10 =	vadd.f32 v10, v21;
	v16 =	vld.idx.msk [tilespmem:v16+s5+$0x0], $0xffff  }
0x9c: {  	v12 =	vadd.f32 v18, v9  }
.Ltmp3:
0x9d: {  	v10 =	vadd.f32 v14, v10;
	v9 =	vld.idx.msk [tilespmem:v17+s5+$0x0], $0xffff;
	(pc) =	sbr.rel @p0 .LBB2_7-.Ltmp3, $4  }
0x9e: {  	v12 =	vadd.f32 v13, v12  }
0x9f: {  	v13 =	vadd.f32 v15, v10;
	v10 =	vld.idx.msk [tilespmem:v19+s5+$0x0], $0xffff  }
0xa0: {  	v12 =	vadd.f32 v11, v12  }
0xa1: {  	v13 =	vadd.f32 v16, v13;
	v11 =	vld.idx.msk [tilespmem:v20+s5+$0x0], $0xffff  }
0xa2: {  	_ =	sdelay $0x2  }
0xa3: {  	v0 =	vadd.f32 v9, v13  }
0xa4: {  	v8 =	vld.idx.msk [tilespmem:v8+s5+$0x0], $0xffff  }
0xa5: {  	v0 =	vadd.f32 v10, v0  }
0xa6: {  	v7 =	vld.idx.msk [tilespmem:v7+s5+$0x0], $0xffff  }
0xa7: {  	v0 =	vadd.f32 v11, v0  }
0xa8: {  	v6 =	vld.idx.msk [tilespmem:v6+s5+$0x0], $0xffff  }
0xa9: {  	v0 =	vadd.f32 v8, v0  }
0xaa: {  	v5 =	vld.idx.msk [tilespmem:v5+s5+$0x0], $0xffff  }
0xab: {  	v0 =	vadd.f32 v7, v0  }
0xac: {  	v3 =	vld.idx.msk [tilespmem:v3+s5+$0x0], $0xffff  }
0xad: {  	v0 =	vadd.f32 v6, v0  }
0xae: {  	v2 =	vld.idx.msk [tilespmem:v2+s5+$0x0], $0xffff  }
0xaf: {  	v0 =	vadd.f32 v5, v0  }
0xb0: {  	v1 =	vld.idx.msk [tilespmem:v1+s5+$0x0], $0xffff  }
0xb1: {  	v0 =	vadd.f32 v3, v0  }
0xb2: {  	v63 =	vld.idx.msk [tilespmem:v4+s5+$0x0], $0xffff  }
0xb3: {  	v0 =	vadd.f32 v2, v0;
	_ =	sdelay $0x1  }
0xb4: {  	v0 =	vadd.f32 v1, v0;
	_ =	sdelay $0x1  }
0xb5: {  	v0 =	vadd.f32 v63, v0  }
0xb6: {  	[tilespmem:s6+$0x0] =	vst v12;
	s31 =	sadd.s32 $0x10, s6;
	s4 =	sshrl.u32 s4, $0x2  }
0xb7: {  	s5 =	simm.s32 $0x4400;
	s4 =	sadd.s32 s4, s2;
	[tilespmem:s31+$0x0] =	vst v0  }
0xb8: {  	[spmem:s4] =	stream.linear.scatter [tilespmem:s5], [sflag:$0x3], $0x40, $0x38;
	[tilespmem:$0x48C0] =	vst v63  }
0xb9: {  	s4 =	simm.s32 $0x3  }
0xba: {  	_ =	swait.ge [sflag:s4], $0x40  }
0xbb: {  	[sflag:s4] =	ssyncset.done $0x0  }
0xbc: {  	[sflag:s4] =	ssyncadd.s32 $0xFFFFFFC0  }
0xbd: {  	p0 =	sne.s32 s3, $0x0;
	[bflag:$0x0] =	sbarrier.arrive $0xFFFF  }
0xbe: {  	_ =	sfence.sel @p0 $0x180000  }
0xbf: {  	[bflag:$0x0] =	sbarrier.arrive @p0 $0xFFFF  }
0xc0: {  	_ =	strace @p0 $0x90000047  }
0xc1: {  	[bflag:$0x2] =	sbarrier.arrive @p0 $0xFFFF  }
0xc2: {  	_ =	shalt @p0  }
.LBB2_9:
0xc3: {  	s3 =	simm.s32 $0x44C0  }
0xc4: {  	[tilespmem:s3], [sflag:$0x3] =	stream.linear.gather [spmem:s2], $0x400, $0x38;
	[tilespmem:$0x48C0] =	vst v63  }
0xc5: {  	_ =	swait.ge [sflag:s4], $0x400  }
0xc6: {  	[sflag:s4] =	ssyncset.done $0x0  }
0xc7: {  	[sflag:s4] =	ssyncadd.s32 $0xFFFFFC00  }
0xc8: {  	v0 =	vld [tilespmem:$0x44C0]  }
0xc9: {  	v1 =	vld [tilespmem:$0x4500]  }
0xca: {  	v2 =	vld [tilespmem:$0x4540]  }
0xcb: {  	v3 =	vld [tilespmem:$0x4580]  }
0xcc: {  	v4 =	vld [tilespmem:$0x45C0]  }
0xcd: {  	v5 =	vld [tilespmem:$0x4600]  }
0xce: {  	v6 =	vld [tilespmem:$0x4640]  }
0xcf: {  	v7 =	vld [tilespmem:$0x4680]  }
0xd0: {  	v8 =	vld [tilespmem:$0x46C0]  }
0xd1: {  	v9 =	vld [tilespmem:$0x4700]  }
0xd2: {  	v10 =	vld [tilespmem:$0x4740]  }
0xd3: {  	v11 =	vld [tilespmem:$0x4780]  }
0xd4: {  	v12 =	vld [tilespmem:$0x47C0]  }
0xd5: {  	v13 =	vld [tilespmem:$0x4800]  }
0xd6: {  	v14 =	vld [tilespmem:$0x4840]  }
0xd7: {  	v15 =	vld [tilespmem:$0x4880]  }
0xd8: {  	v16 =	vld [tilespmem:$0x44D0]  }
0xd9: {  	v17 =	vld [tilespmem:$0x4510]  }
0xda: {  	v18 =	vld [tilespmem:$0x4550]  }
0xdb: {  	v19 =	vld [tilespmem:$0x4590]  }
0xdc: {  	v20 =	vld [tilespmem:$0x45D0]  }
0xdd: {  	v21 =	vld [tilespmem:$0x4610]  }
0xde: {  	v22 =	vld [tilespmem:$0x4650]  }
0xdf: {  	v23 =	vld [tilespmem:$0x4690]  }
0xe0: {  	v24 =	vld [tilespmem:$0x46D0]  }
0xe1: {  	v25 =	vld [tilespmem:$0x4710]  }
0xe2: {  	v26 =	vld [tilespmem:$0x4750]  }
0xe3: {  	v27 =	vld [tilespmem:$0x4790]  }
0xe4: {  	v28 =	vld [tilespmem:$0x47D0]  }
0xe5: {  	v29 =	vld [tilespmem:$0x4810]  }
0xe6: {  	v30 =	vld [tilespmem:$0x4850]  }
0xe7: {  	v32 =	vld [tilespmem:$0x44E0]  }
0xe8: {  	v33 =	vld [tilespmem:$0x4520]  }
0xe9: {  	v34 =	vld [tilespmem:$0x44F0]  }
0xea: {  	v35 =	vld [tilespmem:$0x4560]  }
0xeb: {  	v59 =	vld [tilespmem:$0x4530];
	v0 =	vadd.f32 $0.0e+00, v0;
	v16 =	vadd.f32 $0.0e+00, v16  }
0xec: {  	v61 =	vld [tilespmem:$0x45A0];
	v60 =	vadd.f32 $0.0e+00, v32  }
0xed: {  	v62 =	vld [tilespmem:$0x4570];
	v0 =	vadd.f32 v1, v0;
	v58 =	vadd.f32 v17, v16  }
0xee: {  	v63 =	vld [tilespmem:$0x45E0];
	v36 =	vadd.f32 $0.0e+00, v34;
	v17 =	vadd.f32 v33, v60  }
0xef: {  	v37 =	vld [tilespmem:$0x45B0];
	v0 =	vadd.f32 v2, v0;
	v1 =	vadd.f32 v18, v58  }
0xf0: {  	v38 =	vld [tilespmem:$0x4620];
	v16 =	vadd.f32 v59, v36;
	v17 =	vadd.f32 v35, v17  }
0xf1: {  	v39 =	vld [tilespmem:$0x45F0];
	v0 =	vadd.f32 v3, v0;
	v1 =	vadd.f32 v19, v1  }
0xf2: {  	v40 =	vld [tilespmem:$0x4660];
	v2 =	vadd.f32 v62, v16;
	v17 =	vadd.f32 v61, v17  }
0xf3: {  	v41 =	vld [tilespmem:$0x4630];
	v0 =	vadd.f32 v4, v0;
	v1 =	vadd.f32 v20, v1  }
0xf4: {  	v42 =	vld [tilespmem:$0x46A0];
	v2 =	vadd.f32 v37, v2;
	v17 =	vadd.f32 v63, v17  }
0xf5: {  	v43 =	vld [tilespmem:$0x4670];
	v0 =	vadd.f32 v5, v0;
	v1 =	vadd.f32 v21, v1  }
0xf6: {  	v44 =	vld [tilespmem:$0x46E0];
	v2 =	vadd.f32 v39, v2;
	v17 =	vadd.f32 v38, v17  }
0xf7: {  	v45 =	vld [tilespmem:$0x46B0];
	v0 =	vadd.f32 v6, v0;
	v1 =	vadd.f32 v22, v1  }
0xf8: {  	v46 =	vld [tilespmem:$0x4720];
	v2 =	vadd.f32 v41, v2;
	v16 =	vadd.f32 v40, v17  }
0xf9: {  	v47 =	vld [tilespmem:$0x46F0];
	v0 =	vadd.f32 v7, v0;
	v1 =	vadd.f32 v23, v1  }
0xfa: {  	v48 =	vld [tilespmem:$0x4760];
	v2 =	vadd.f32 v43, v2;
	v3 =	vadd.f32 v42, v16  }
0xfb: {  	v49 =	vld [tilespmem:$0x4730];
	v0 =	vadd.f32 v8, v0;
	v1 =	vadd.f32 v24, v1  }
0xfc: {  	v50 =	vld [tilespmem:$0x47A0];
	v2 =	vadd.f32 v45, v2;
	v3 =	vadd.f32 v44, v3  }
0xfd: {  	v51 =	vld [tilespmem:$0x4770];
	v0 =	vadd.f32 v9, v0;
	v1 =	vadd.f32 v25, v1  }
0xfe: {  	v52 =	vld [tilespmem:$0x47E0];
	v2 =	vadd.f32 v47, v2;
	v3 =	vadd.f32 v46, v3  }
0xff: {  	v53 =	vld [tilespmem:$0x47B0];
	v0 =	vadd.f32 v10, v0;
	v1 =	vadd.f32 v26, v1  }
0x100: {  	v54 =	vld [tilespmem:$0x4820];
	v2 =	vadd.f32 v49, v2;
	v3 =	vadd.f32 v48, v3  }
0x101: {  	v55 =	vld [tilespmem:$0x47F0];
	v0 =	vadd.f32 v11, v0;
	v1 =	vadd.f32 v27, v1  }
0x102: {  	v56 =	vld [tilespmem:$0x4860];
	v2 =	vadd.f32 v51, v2;
	v3 =	vadd.f32 v50, v3  }
0x103: {  	v57 =	vld [tilespmem:$0x4830];
	v0 =	vadd.f32 v12, v0;
	v1 =	vadd.f32 v28, v1  }
0x104: {  	v31 =	vld [tilespmem:$0x4890];
	v2 =	vadd.f32 v53, v2;
	v3 =	vadd.f32 v52, v3  }
0x105: {  	v58 =	vld [tilespmem:$0x48A0];
	v0 =	vadd.f32 v13, v0;
	v1 =	vadd.f32 v29, v1  }
0x106: {  	v59 =	vld [tilespmem:$0x4870];
	v2 =	vadd.f32 v55, v2;
	v3 =	vadd.f32 v54, v3  }
0x107: {  	v0 =	vadd.f32 v14, v0;
	v1 =	vadd.f32 v30, v1  }
0x108: {  	v60 =	vld [tilespmem:$0x48B0];
	v2 =	vadd.f32 v57, v2;
	v3 =	vadd.f32 v56, v3  }
0x109: {  	v0 =	vadd.f32 v15, v0;
	v1 =	vadd.f32 v31, v1  }
0x10a: {  	v3 =	vadd.f32 v58, v3  }
0x10b: {  	v2 =	vadd.f32 v59, v2;
	v0 =	vmul.f32 $3.051757810e-05, v0;
	v1 =	vmul.f32 $3.051757810e-05, v1  }
0x10c: {  	v3 =	vmul.f32 $3.051757810e-05, v3  }
0x10d: {  	v2 =	vadd.f32 v60, v2;
	v0 =	vmul.f32 v0, v0;
	v1 =	vmul.f32 v1, v1;
	_ =	sdelay $0x1  }
0x10e: {  	v2 =	vmul.f32 $3.051757810e-05, v2;
	v61 =	vmul.f32 v3, v3;
	v0 =	vadd.f32 v1, v0;
	_ =	sdelay $0x1  }
0x10f: {  	v62 =	vmul.f32 v2, v2;
	v0 =	vadd.f32 v61, v0;
	_ =	sdelay $0x1  }
0x110: {  	v0 =	vadd.f32 v62, v0;
	_ =	sdelay $0x1  }
0x111: {  	(xrf2) =	vadd.scan.msk.f32 $0xffff, v0;
	_ =	sdelay $0x9  }
0x112: {  	v0, _, _ =	vpop (xrf2)  }
0x113: {  	(v2sf) =	vpush v0, $0xF;
	_ =	sdelay $0xe  }
0x114: {  	s30 =	spop (v2sf)  }
0x115: {  	s2 =	smul.f32 $6.400000000e+01, s30;
	_ =	sdelay $0x1  }
0x116: {  	s2 =	sadd.f32 $-1.000000000e+00, s2;
	_ =	sdelay $0x1  }
0x117: {  	s2 =	smul.f32 $9.999999770e-03, s2;
	_ =	sdelay $0x1  }
0x118: {  	v63 =	vmov s2  }
0x119: {  	s31 =	simm.s32 $0x0;
	[tilespmem:$0x4400] =	vst v63  }
0x11a: {  	[hbm4b:s1+s31] =	stream.linear.scatter [tilespmem:s5], [sflag:$0x3], $0x10, $0x38;
	[tilespmem:$0x48C0] =	vst v63  }
0x11b: {  	_ =	swait.ge [sflag:s4], $0x10  }
0x11c: {  	[sflag:s4] =	ssyncset.done $0x0  }
0x11d: {  	[sflag:s4] =	ssyncadd.s32 $0xFFFFFFF0  }
0x11e: {  	_ =	sfence.sel $0x180000  }
0x11f: {  	[bflag:$0x0] =	sbarrier.arrive $0xFFFF  }
0x120: {  	_ =	strace $0x90000047  }
0x121: {  	s0 =	sadd.s32 $0x100000, s0;
	[bflag:$0x2] =	sbarrier.arrive $0xFFFF  }
0x122: {  	[sflag:s0] =	ssyncadd.tile.s32 $0x1;
	_ =	shalt  }
.Lfunc_end2:
_tile_overlayer_lowered:
.L_overlay_start_2:
0x123: {  	(tag) =	ssettag $0x2  }
0x124: {  	s0 =	rddreg [dreg:$0x0];
	s2 =	stileid.u32  }
0x125: {  	s1 =	rddreg [dreg:$0x1];
	p0 =	sne.s32 s2, $0x0  }
0x126: {  	s3 =	rddreg [dreg:$0x2];
	[bflag:$0x3] =	sbarrier.arrive $0xFFFF;
	s2 =	simm.s32 @!p0 $0x1C03  }
0x127: {  	[timem:s3], [sflag:s2] =	dma.local @!p0 [hbm:s0], s1  }
0x128: {  	s0 =	simm.s32 @!p0 $0x3  }
0x129: {  	_ =	swait.ge @!p0 [sflag:s0], s1  }
0x12a: {  	s1 =	ssub.s32 @!p0 $0x0, s1;
	[sflag:s0] =	ssyncset.done @!p0 $0x0  }
0x12b: {  	[sflag:s0] =	ssyncadd.s32 @!p0 s1  }
0x12c: {  	[bflag:$0x3] =	sbarrier.arrive $0xFFFF  }
0x12d: {  	_ =	shalt  }

</sc_bundles>
